<compile_context>
chip_gen: v7x
topology: tpu7x:2x2x1
jax: 0.10.2.dev20260603
libtpu: 0.0.44.dev20260713+nightly
codegen_flags: <defaults>
</compile_context>

<pallas_src>
import functools

import jax
import jax.numpy as jnp
from jax import lax
from jax.experimental import pallas as pl
from jax.experimental.pallas import tpu as pltpu
from jax.experimental.pallas import tpu_sc as plsc

NUM_FRAME = 1000000
BATCH = 16384
NC = 2
NS = 16
L = 16
NW = NC * NS
BPW = BATCH // NW
STEPS = BPW // L

_ANGLE_SCALE = 0.2 / 180.0 * 3.14159265358979323846


def _pose_body(idx_hbm, rx_hbm, ry_hbm, rz_hbm, tx_hbm, ty_hbm, tz_hbm,
               out_hbm, idx_v, rows_r, rows_t, out_v, sem):
    wid = lax.axis_index("s") * NC + lax.axis_index("c")
    base = wid * BPW

    pltpu.sync_copy(idx_hbm.at[pl.ds(base, BPW)], idx_v)

    copies = []
    for c, src in enumerate((rx_hbm, ry_hbm, rz_hbm)):
        copies.append(pltpu.async_copy(
            src.at[idx_v], rows_r.at[pl.ds(c * BPW, BPW)], sem))
    for c, src in enumerate((tx_hbm, ty_hbm, tz_hbm)):
        copies.append(pltpu.async_copy(
            src.at[idx_v], rows_t.at[pl.ds(c * BPW, BPW)], sem))
    for cp in copies:
        cp.wait()

    zeros = jnp.zeros((L,), jnp.float32)
    ones = jnp.ones((L,), jnp.float32)

    def tanh(x):
        return 1.0 - 2.0 / (jnp.exp(2.0 * x) + 1.0)

    def step(i, carry):
        o = i * L
        rx = rows_r[pl.ds(o, L)]
        ry = rows_r[pl.ds(BPW + o, L)]
        rz = rows_r[pl.ds(2 * BPW + o, L)]
        tx = rows_t[pl.ds(o, L)]
        ty = rows_t[pl.ds(BPW + o, L)]
        tz = rows_t[pl.ds(2 * BPW + o, L)]

        ax = _ANGLE_SCALE * tanh(rx)
        ay = _ANGLE_SCALE * tanh(ry)
        az = _ANGLE_SCALE * tanh(rz)
        t2 = ax * ax + ay * ay + az * az
        h2 = 0.25 * t2
        cos_h = 1.0 - 0.5 * h2 + (1.0 / 24.0) * h2 * h2
        s = 0.5 - (1.0 / 48.0) * t2 + (1.0 / 3840.0) * t2 * t2
        qr = cos_h
        qi = ax * s
        qj = ay * s
        qk = az * s
        two_s = 2.0 / (qr * qr + qi * qi + qj * qj + qk * qk)

        m00 = 1.0 - two_s * (qj * qj + qk * qk)
        m01 = two_s * (qi * qj - qk * qr)
        m02 = two_s * (qi * qk + qj * qr)
        m10 = two_s * (qi * qj + qk * qr)
        m11 = 1.0 - two_s * (qi * qi + qk * qk)
        m12 = two_s * (qj * qk - qi * qr)
        m20 = two_s * (qi * qk - qj * qr)
        m21 = two_s * (qj * qk + qi * qr)
        m22 = 1.0 - two_s * (qi * qi + qj * qj)
        t0 = 0.05 * tanh(tx)
        t1 = 0.05 * tanh(ty)
        t_2 = 0.05 * tanh(tz)

        vals = (m00, m01, m02, t0, m10, m11, m12, t1,
                m20, m21, m22, t_2, zeros, zeros, zeros, ones)
        for c, v in enumerate(vals):
            out_v[c, pl.ds(o, L)] = v
        return carry

    lax.fori_loop(0, STEPS, step, 0)
    pltpu.sync_copy(out_v, out_hbm.at[:, pl.ds(base, BPW)])


@functools.partial(
    pl.kernel,
    out_type=jax.ShapeDtypeStruct((16, BATCH), jnp.float32),
    mesh=plsc.VectorSubcoreMesh(core_axis_name="c", subcore_axis_name="s"),
    compiler_params=pltpu.CompilerParams(use_tc_tiling_on_sc=False),
    scratch_types=[
        pltpu.VMEM((BPW,), jnp.int32),
        pltpu.VMEM((3 * BPW,), jnp.float32),
        pltpu.VMEM((3 * BPW,), jnp.float32),
        pltpu.VMEM((16, BPW), jnp.float32),
        pltpu.SemaphoreType.DMA,
    ],
)
def _pose_kernel(idx_hbm, rx_hbm, ry_hbm, rz_hbm, tx_hbm, ty_hbm, tz_hbm,
                 out_hbm, idx_v, rows_r, rows_t, out_v, sem):
    _pose_body(idx_hbm, rx_hbm, ry_hbm, rz_hbm, tx_hbm, ty_hbm, tz_hbm,
               out_hbm, idx_v, rows_r, rows_t, out_v, sem)


def kernel(frame_idx, camera_idx, rotations, translations):
    del camera_idx
    idx = frame_idx.astype(jnp.int32)
    cols = _pose_kernel(
        idx,
        rotations[:, 0], rotations[:, 1], rotations[:, 2],
        translations[:, 0], translations[:, 1], translations[:, 2],
    )
    return cols.T.reshape(BATCH, 4, 4)

# --- scband reference (transcript-rebuilt; emitter-appended) ---
"""Pipeline reference for scband-pose-modelv3-62740882260169 (READ-ONLY COPY).

The authoritative reference and input builder live on the scoring server;
editing this copy changes nothing except your own understanding.
"""

import jax, jax.numpy as jnp
import numpy as np

NUM_FRAME = 1000000
BATCH = 16384


def quaternion_to_matrix(q):
    r, i, j, k = q[..., 0], q[..., 1], q[..., 2], q[..., 3]
    two_s = 2.0 / jnp.sum(q * q, axis=-1)
    o = jnp.stack([
        1 - two_s * (j * j + k * k), two_s * (i * j - k * r), two_s * (i * k + j * r),
        two_s * (i * j + k * r), 1 - two_s * (i * i + k * k), two_s * (j * k - i * r),
        two_s * (i * k - j * r), two_s * (j * k + i * r), 1 - two_s * (i * i + j * j),
    ], axis=-1)
    return o.reshape(q.shape[:-1] + (3, 3))


def axis_angle_to_matrix(axis_angle):
    # pytorch3d-style: axis-angle -> quaternion -> rotation matrix, small-angle safe
    theta = jnp.linalg.norm(axis_angle, axis=-1, keepdims=True)
    half = theta * 0.5
    eps = 1e-6
    small = theta < eps
    safe_theta = jnp.where(small, jnp.ones_like(theta), theta)
    sin_half_over_theta = jnp.where(small, 0.5 - (theta * theta) / 48.0, jnp.sin(half) / safe_theta)
    quat = jnp.concatenate([jnp.cos(half), axis_angle * sin_half_over_theta], axis=-1)
    return quaternion_to_matrix(quat)


def convert3x4_4x4(p34):
    # (N, 3, 4) -> (N, 4, 4)
    out = jnp.concatenate([p34, jnp.zeros_like(p34[:, 0:1])], axis=1)
    out = out.at[:, 3, 3].set(1.0)
    return out


def setup_inputs(seed: int = 0) -> dict:
    key = jax.random.key(seed)
    k1, k2, k3, k4 = jax.random.split(key, 4)
    frame_idx = jax.random.randint(k1, (BATCH,), 0, NUM_FRAME)
    camera_idx = jax.random.randint(k2, (BATCH,), 0, 8)
    # learned pose tables (params); init with small noise so norms are nonzero
    rotations = jax.random.normal(k3, (NUM_FRAME, 3), dtype=jnp.float32) * 0.1
    translations = jax.random.normal(k4, (NUM_FRAME, 3), dtype=jnp.float32) * 0.1
    return {"frame_idx": frame_idx, "camera_idx": camera_idx, "rotations": rotations, "translations": translations}


def reference(frame_idx, camera_idx, rotations, translations):
    # embedding-style gather from the pose tables
    r = jnp.take(rotations, frame_idx, axis=0)
    t = jnp.take(translations, frame_idx, axis=0)
    rots = axis_angle_to_matrix(0.2 / 180.0 * np.pi * jnp.tanh(r))
    t = 0.05 * jnp.tanh(t)[..., None]  # (B, 3, 1)
    poses = convert3x4_4x4(jnp.concatenate([rots, t], axis=2))
    return poses

if __name__ == "__main__":
    import jax
    _d = setup_inputs()
    print(jax.jit(kernel)(*tuple(_d.values())))

</pallas_src>

<mosaic_0001>
#map = affine_map<(d0, d1) -> (0)>
#map1 = affine_map<(d0, d1) -> (0, 0)>
module attributes {stable_mosaic.version = 14 : i64} {
  func.func @_pose_kernel(%arg0: i32, %arg1: i32, %arg2: memref<16384xi32, #tpu.memory_space<hbm>>, %arg3: memref<1000000xf32, #tpu.memory_space<hbm>>, %arg4: memref<1000000xf32, #tpu.memory_space<hbm>>, %arg5: memref<1000000xf32, #tpu.memory_space<hbm>>, %arg6: memref<1000000xf32, #tpu.memory_space<hbm>>, %arg7: memref<1000000xf32, #tpu.memory_space<hbm>>, %arg8: memref<1000000xf32, #tpu.memory_space<hbm>>, %arg9: memref<16x16384xf32, #tpu.memory_space<hbm>>, %arg10: memref<512xi32, #tpu.memory_space<vmem>>, %arg11: memref<1536xf32, #tpu.memory_space<vmem>>, %arg12: memref<1536xf32, #tpu.memory_space<vmem>>, %arg13: memref<16x512xf32, #tpu.memory_space<vmem>>, %arg14: memref<!tpu.dma_semaphore, #tpu.memory_space<semaphore_mem>>) attributes {dimension_semantics = [#tpu.dimension_semantics<core_parallel>, #tpu.dimension_semantics<subcore_parallel>], iteration_bounds = array<i64: 2, 16>, scalar_prefetch = 0 : i64, scratch_operands = 5 : i64, tpu.core_type = #tpu.core_type<sc_vector_subcore>, window_params = [{transform_indices = #map}, {transform_indices = #map}, {transform_indices = #map}, {transform_indices = #map}, {transform_indices = #map}, {transform_indices = #map}, {transform_indices = #map}, {transform_indices = #map1}]} {
    %mul3A = arith.constant 2 : i32
    %mul3A_0 = arith.muli %arg1, %mul3A : i32
    %add3A = arith.addi %mul3A_0, %arg0 : i32
    %mul3A_1 = arith.constant 512 : i32
    %mul3A_2 = arith.muli %add3A, %mul3A_1 : i32
    "tpu.region"() ({
      %run_scoped3A = tpu.sem_alloc : memref<!tpu.dma_semaphore, #tpu.memory_space<semaphore_mem>>
      %dma_start3A_57 = tpu.memref_slice %arg2[%mul3A_2] : memref<16384xi32, #tpu.memory_space<hbm>> -> memref<512xi32, #tpu.memory_space<hbm>>
      %dma_start3A_58 = tpu.memref_slice %arg2[%mul3A_2] : memref<16384xi32, #tpu.memory_space<hbm>> -> memref<512xi32, #tpu.memory_space<hbm>>
      tpu.enqueue_dma source(%dma_start3A_58 : memref<512xi32, #tpu.memory_space<hbm>>) target(%arg10 : memref<512xi32, #tpu.memory_space<vmem>>) target_semaphore(%run_scoped3A : memref<!tpu.dma_semaphore, #tpu.memory_space<semaphore_mem>>)
      %dma_wait3A_59 = tpu.memref_slice %arg2[%mul3A_2] : memref<16384xi32, #tpu.memory_space<hbm>> -> memref<512xi32, #tpu.memory_space<hbm>>
      %dma_wait3A_60 = tpu.memref_slice %arg2[%mul3A_2] : memref<16384xi32, #tpu.memory_space<hbm>> -> memref<512xi32, #tpu.memory_space<hbm>>
      tpu.wait_dma2 semaphore(%run_scoped3A : memref<!tpu.dma_semaphore, #tpu.memory_space<semaphore_mem>>) src(%dma_wait3A_60 : memref<512xi32, #tpu.memory_space<hbm>>) dst(%arg10 : memref<512xi32, #tpu.memory_space<vmem>>)
      tpu.yield
    }) : () -> ()
    %dma_start3A = arith.constant 0 : i32
    %dma_start3A_3 = tpu.memref_slice %arg11[%dma_start3A] : memref<1536xf32, #tpu.memory_space<vmem>> -> memref<512xf32, #tpu.memory_space<vmem>>
    %dma_start3A_4 = arith.constant 0 : i32
    %dma_start3A_5 = tpu.memref_slice %arg3[%dma_start3A_4] : memref<1000000xf32, #tpu.memory_space<hbm>> -> memref<1000000xf32, #tpu.memory_space<hbm>>
    tpu.enqueue_indirect_dma source(%dma_start3A_5 : memref<1000000xf32, #tpu.memory_space<hbm>>) target(%dma_start3A_3 : memref<512xf32, #tpu.memory_space<vmem>>) offsets(%arg10 : memref<512xi32, #tpu.memory_space<vmem>>) semaphore(%arg14 : memref<!tpu.dma_semaphore, #tpu.memory_space<semaphore_mem>>)
    %dma_start3A_6 = arith.constant 512 : i32
    %dma_start3A_7 = tpu.memref_slice %arg11[%dma_start3A_6] : memref<1536xf32, #tpu.memory_space<vmem>> -> memref<512xf32, #tpu.memory_space<vmem>>
    %dma_start3A_8 = arith.constant 0 : i32
    %dma_start3A_9 = tpu.memref_slice %arg4[%dma_start3A_8] : memref<1000000xf32, #tpu.memory_space<hbm>> -> memref<1000000xf32, #tpu.memory_space<hbm>>
    tpu.enqueue_indirect_dma source(%dma_start3A_9 : memref<1000000xf32, #tpu.memory_space<hbm>>) target(%dma_start3A_7 : memref<512xf32, #tpu.memory_space<vmem>>) offsets(%arg10 : memref<512xi32, #tpu.memory_space<vmem>>) semaphore(%arg14 : memref<!tpu.dma_semaphore, #tpu.memory_space<semaphore_mem>>)
    %dma_start3A_10 = arith.constant 1024 : i32
    %dma_start3A_11 = tpu.memref_slice %arg11[%dma_start3A_10] : memref<1536xf32, #tpu.memory_space<vmem>> -> memref<512xf32, #tpu.memory_space<vmem>>
    %dma_start3A_12 = arith.constant 0 : i32
    %dma_start3A_13 = tpu.memref_slice %arg5[%dma_start3A_12] : memref<1000000xf32, #tpu.memory_space<hbm>> -> memref<1000000xf32, #tpu.memory_space<hbm>>
    tpu.enqueue_indirect_dma source(%dma_start3A_13 : memref<1000000xf32, #tpu.memory_space<hbm>>) target(%dma_start3A_11 : memref<512xf32, #tpu.memory_space<vmem>>) offsets(%arg10 : memref<512xi32, #tpu.memory_space<vmem>>) semaphore(%arg14 : memref<!tpu.dma_semaphore, #tpu.memory_space<semaphore_mem>>)
    %dma_start3A_14 = arith.constant 0 : i32
    %dma_start3A_15 = tpu.memref_slice %arg12[%dma_start3A_14] : memref<1536xf32, #tpu.memory_space<vmem>> -> memref<512xf32, #tpu.memory_space<vmem>>
    %dma_start3A_16 = arith.constant 0 : i32
    %dma_start3A_17 = tpu.memref_slice %arg6[%dma_start3A_16] : memref<1000000xf32, #tpu.memory_space<hbm>> -> memref<1000000xf32, #tpu.memory_space<hbm>>
    tpu.enqueue_indirect_dma source(%dma_start3A_17 : memref<1000000xf32, #tpu.memory_space<hbm>>) target(%dma_start3A_15 : memref<512xf32, #tpu.memory_space<vmem>>) offsets(%arg10 : memref<512xi32, #tpu.memory_space<vmem>>) semaphore(%arg14 : memref<!tpu.dma_semaphore, #tpu.memory_space<semaphore_mem>>)
    %dma_start3A_18 = arith.constant 512 : i32
    %dma_start3A_19 = tpu.memref_slice %arg12[%dma_start3A_18] : memref<1536xf32, #tpu.memory_space<vmem>> -> memref<512xf32, #tpu.memory_space<vmem>>
    %dma_start3A_20 = arith.constant 0 : i32
    %dma_start3A_21 = tpu.memref_slice %arg7[%dma_start3A_20] : memref<1000000xf32, #tpu.memory_space<hbm>> -> memref<1000000xf32, #tpu.memory_space<hbm>>
    tpu.enqueue_indirect_dma source(%dma_start3A_21 : memref<1000000xf32, #tpu.memory_space<hbm>>) target(%dma_start3A_19 : memref<512xf32, #tpu.memory_space<vmem>>) offsets(%arg10 : memref<512xi32, #tpu.memory_space<vmem>>) semaphore(%arg14 : memref<!tpu.dma_semaphore, #tpu.memory_space<semaphore_mem>>)
    %dma_start3A_22 = arith.constant 1024 : i32
    %dma_start3A_23 = tpu.memref_slice %arg12[%dma_start3A_22] : memref<1536xf32, #tpu.memory_space<vmem>> -> memref<512xf32, #tpu.memory_space<vmem>>
    %dma_start3A_24 = arith.constant 0 : i32
    %dma_start3A_25 = tpu.memref_slice %arg8[%dma_start3A_24] : memref<1000000xf32, #tpu.memory_space<hbm>> -> memref<1000000xf32, #tpu.memory_space<hbm>>
    tpu.enqueue_indirect_dma source(%dma_start3A_25 : memref<1000000xf32, #tpu.memory_space<hbm>>) target(%dma_start3A_23 : memref<512xf32, #tpu.memory_space<vmem>>) offsets(%arg10 : memref<512xi32, #tpu.memory_space<vmem>>) semaphore(%arg14 : memref<!tpu.dma_semaphore, #tpu.memory_space<semaphore_mem>>)
    %dma_wait3A = arith.constant 0 : i32
    %dma_wait3A_26 = tpu.memref_slice %arg11[%dma_wait3A] : memref<1536xf32, #tpu.memory_space<vmem>> -> memref<512xf32, #tpu.memory_space<vmem>>
    %dma_wait3A_27 = arith.constant 0 : i32
    %dma_wait3A_28 = tpu.memref_slice %arg3[%dma_wait3A_27] : memref<1000000xf32, #tpu.memory_space<hbm>> -> memref<1000000xf32, #tpu.memory_space<hbm>>
    tpu.wait_indirect_dma semaphore(%arg14 : memref<!tpu.dma_semaphore, #tpu.memory_space<semaphore_mem>>) src(%dma_wait3A_28 : memref<1000000xf32, #tpu.memory_space<hbm>>) dst(%dma_wait3A_26 : memref<512xf32, #tpu.memory_space<vmem>>)
    %dma_wait3A_29 = arith.constant 512 : i32
    %dma_wait3A_30 = tpu.memref_slice %arg11[%dma_wait3A_29] : memref<1536xf32, #tpu.memory_space<vmem>> -> memref<512xf32, #tpu.memory_space<vmem>>
    %dma_wait3A_31 = arith.constant 0 : i32
    %dma_wait3A_32 = tpu.memref_slice %arg4[%dma_wait3A_31] : memref<1000000xf32, #tpu.memory_space<hbm>> -> memref<1000000xf32, #tpu.memory_space<hbm>>
    tpu.wait_indirect_dma semaphore(%arg14 : memref<!tpu.dma_semaphore, #tpu.memory_space<semaphore_mem>>) src(%dma_wait3A_32 : memref<1000000xf32, #tpu.memory_space<hbm>>) dst(%dma_wait3A_30 : memref<512xf32, #tpu.memory_space<vmem>>)
    %dma_wait3A_33 = arith.constant 1024 : i32
    %dma_wait3A_34 = tpu.memref_slice %arg11[%dma_wait3A_33] : memref<1536xf32, #tpu.memory_space<vmem>> -> memref<512xf32, #tpu.memory_space<vmem>>
    %dma_wait3A_35 = arith.constant 0 : i32
    %dma_wait3A_36 = tpu.memref_slice %arg5[%dma_wait3A_35] : memref<1000000xf32, #tpu.memory_space<hbm>> -> memref<1000000xf32, #tpu.memory_space<hbm>>
    tpu.wait_indirect_dma semaphore(%arg14 : memref<!tpu.dma_semaphore, #tpu.memory_space<semaphore_mem>>) src(%dma_wait3A_36 : memref<1000000xf32, #tpu.memory_space<hbm>>) dst(%dma_wait3A_34 : memref<512xf32, #tpu.memory_space<vmem>>)
    %dma_wait3A_37 = arith.constant 0 : i32
    %dma_wait3A_38 = tpu.memref_slice %arg12[%dma_wait3A_37] : memref<1536xf32, #tpu.memory_space<vmem>> -> memref<512xf32, #tpu.memory_space<vmem>>
    %dma_wait3A_39 = arith.constant 0 : i32
    %dma_wait3A_40 = tpu.memref_slice %arg6[%dma_wait3A_39] : memref<1000000xf32, #tpu.memory_space<hbm>> -> memref<1000000xf32, #tpu.memory_space<hbm>>
    tpu.wait_indirect_dma semaphore(%arg14 : memref<!tpu.dma_semaphore, #tpu.memory_space<semaphore_mem>>) src(%dma_wait3A_40 : memref<1000000xf32, #tpu.memory_space<hbm>>) dst(%dma_wait3A_38 : memref<512xf32, #tpu.memory_space<vmem>>)
    %dma_wait3A_41 = arith.constant 512 : i32
    %dma_wait3A_42 = tpu.memref_slice %arg12[%dma_wait3A_41] : memref<1536xf32, #tpu.memory_space<vmem>> -> memref<512xf32, #tpu.memory_space<vmem>>
    %dma_wait3A_43 = arith.constant 0 : i32
    %dma_wait3A_44 = tpu.memref_slice %arg7[%dma_wait3A_43] : memref<1000000xf32, #tpu.memory_space<hbm>> -> memref<1000000xf32, #tpu.memory_space<hbm>>
    tpu.wait_indirect_dma semaphore(%arg14 : memref<!tpu.dma_semaphore, #tpu.memory_space<semaphore_mem>>) src(%dma_wait3A_44 : memref<1000000xf32, #tpu.memory_space<hbm>>) dst(%dma_wait3A_42 : memref<512xf32, #tpu.memory_space<vmem>>)
    %dma_wait3A_45 = arith.constant 1024 : i32
    %dma_wait3A_46 = tpu.memref_slice %arg12[%dma_wait3A_45] : memref<1536xf32, #tpu.memory_space<vmem>> -> memref<512xf32, #tpu.memory_space<vmem>>
    %dma_wait3A_47 = arith.constant 0 : i32
    %dma_wait3A_48 = tpu.memref_slice %arg8[%dma_wait3A_47] : memref<1000000xf32, #tpu.memory_space<hbm>> -> memref<1000000xf32, #tpu.memory_space<hbm>>
    tpu.wait_indirect_dma semaphore(%arg14 : memref<!tpu.dma_semaphore, #tpu.memory_space<semaphore_mem>>) src(%dma_wait3A_48 : memref<1000000xf32, #tpu.memory_space<hbm>>) dst(%dma_wait3A_46 : memref<512xf32, #tpu.memory_space<vmem>>)
    %broadcast_in_dim3A = arith.constant 0.000000e+00 : f32
    %broadcast_in_dim3A_49 = vector.broadcast %broadcast_in_dim3A : f32 to vector<16xf32>
    %broadcast_in_dim3A_50 = arith.constant 1.000000e+00 : f32
    %broadcast_in_dim3A_51 = vector.broadcast %broadcast_in_dim3A_50 : f32 to vector<16xf32>
    %scan3A = arith.constant 0 : i32
    %scan3A_52 = arith.constant 0 : i32
    %scan3A_53 = arith.constant 32 : i32
    %scan3A_54 = arith.addi %scan3A_52, %scan3A_53 : i32
    %scan3A_55 = arith.constant 1 : i32
    scf.for %scan3A_57 = %scan3A_52 to %scan3A_54 step %scan3A_55  : i32 {
      %mul3A_58 = arith.constant 16 : i32
      %mul3A_59 = arith.muli %scan3A_57, %mul3A_58 : i32
      %get3A = arith.index_cast %mul3A_59 : i32 to index
      %get3A_60 = tpu.vector_load %arg11[%get3A] {strides = array<i32>} : memref<1536xf32, #tpu.memory_space<vmem>>, vector<16xf32>,
      %get3A_61 = vector.shape_cast %get3A_60 : vector<16xf32> to vector<16xf32>
      %add3A_62 = arith.constant 512 : i32
      %add3A_63 = arith.addi %add3A_62, %mul3A_59 : i32
      %get3A_64 = arith.index_cast %add3A_63 : i32 to index
      %get3A_65 = tpu.vector_load %arg11[%get3A_64] {strides = array<i32>} : memref<1536xf32, #tpu.memory_space<vmem>>, vector<16xf32>,
      %get3A_66 = vector.shape_cast %get3A_65 : vector<16xf32> to vector<16xf32>
      %add3A_67 = arith.constant 1024 : i32
      %add3A_68 = arith.addi %add3A_67, %mul3A_59 : i32
      %get3A_69 = arith.index_cast %add3A_68 : i32 to index
      %get3A_70 = tpu.vector_load %arg11[%get3A_69] {strides = array<i32>} : memref<1536xf32, #tpu.memory_space<vmem>>, vector<16xf32>,
      %get3A_71 = vector.shape_cast %get3A_70 : vector<16xf32> to vector<16xf32>
      %get3A_72 = arith.index_cast %mul3A_59 : i32 to index
      %get3A_73 = tpu.vector_load %arg12[%get3A_72] {strides = array<i32>} : memref<1536xf32, #tpu.memory_space<vmem>>, vector<16xf32>,
      %get3A_74 = vector.shape_cast %get3A_73 : vector<16xf32> to vector<16xf32>
      %add3A_75 = arith.constant 512 : i32
      %add3A_76 = arith.addi %add3A_75, %mul3A_59 : i32
      %get3A_77 = arith.index_cast %add3A_76 : i32 to index
      %get3A_78 = tpu.vector_load %arg12[%get3A_77] {strides = array<i32>} : memref<1536xf32, #tpu.memory_space<vmem>>, vector<16xf32>,
      %get3A_79 = vector.shape_cast %get3A_78 : vector<16xf32> to vector<16xf32>
      %add3A_80 = arith.constant 1024 : i32
      %add3A_81 = arith.addi %add3A_80, %mul3A_59 : i32
      %get3A_82 = arith.index_cast %add3A_81 : i32 to index
      %get3A_83 = tpu.vector_load %arg12[%get3A_82] {strides = array<i32>} : memref<1536xf32, #tpu.memory_space<vmem>>, vector<16xf32>,
      %get3A_84 = vector.shape_cast %get3A_83 : vector<16xf32> to vector<16xf32>
      %mul3A_85 = arith.constant 2.000000e+00 : f32
      %mul3A_86 = vector.broadcast %mul3A_85 : f32 to vector<16xf32>
      %mul3A_87 = arith.mulf %mul3A_86, %get3A_61 : vector<16xf32>
      %exp3A = math.exp %mul3A_87 : vector<16xf32>
      %add3A_88 = arith.constant 1.000000e+00 : f32
      %add3A_89 = vector.broadcast %add3A_88 : f32 to vector<16xf32>
      %add3A_90 = arith.addf %exp3A, %add3A_89 : vector<16xf32>
      %div3A = arith.constant 2.000000e+00 : f32
      %div3A_91 = vector.broadcast %div3A : f32 to vector<16xf32>
      %div3A_92 = arith.divf %div3A_91, %add3A_90 : vector<16xf32>
      %sub3A = arith.constant 1.000000e+00 : f32
      %sub3A_93 = vector.broadcast %sub3A : f32 to vector<16xf32>
      %sub3A_94 = arith.subf %sub3A_93, %div3A_92 : vector<16xf32>
      %mul3A_95 = arith.constant 0.00349065848 : f32
      %mul3A_96 = vector.broadcast %mul3A_95 : f32 to vector<16xf32>
      %mul3A_97 = arith.mulf %mul3A_96, %sub3A_94 : vector<16xf32>
      %mul3A_98 = arith.constant 2.000000e+00 : f32
      %mul3A_99 = vector.broadcast %mul3A_98 : f32 to vector<16xf32>
      %mul3A_100 = arith.mulf %mul3A_99, %get3A_66 : vector<16xf32>
      %exp3A_101 = math.exp %mul3A_100 : vector<16xf32>
      %add3A_102 = arith.constant 1.000000e+00 : f32
      %add3A_103 = vector.broadcast %add3A_102 : f32 to vector<16xf32>
      %add3A_104 = arith.addf %exp3A_101, %add3A_103 : vector<16xf32>
      %div3A_105 = arith.constant 2.000000e+00 : f32
      %div3A_106 = vector.broadcast %div3A_105 : f32 to vector<16xf32>
      %div3A_107 = arith.divf %div3A_106, %add3A_104 : vector<16xf32>
      %sub3A_108 = arith.constant 1.000000e+00 : f32
      %sub3A_109 = vector.broadcast %sub3A_108 : f32 to vector<16xf32>
      %sub3A_110 = arith.subf %sub3A_109, %div3A_107 : vector<16xf32>
      %mul3A_111 = arith.constant 0.00349065848 : f32
      %mul3A_112 = vector.broadcast %mul3A_111 : f32 to vector<16xf32>
      %mul3A_113 = arith.mulf %mul3A_112, %sub3A_110 : vector<16xf32>
      %mul3A_114 = arith.constant 2.000000e+00 : f32
      %mul3A_115 = vector.broadcast %mul3A_114 : f32 to vector<16xf32>
      %mul3A_116 = arith.mulf %mul3A_115, %get3A_71 : vector<16xf32>
      %exp3A_117 = math.exp %mul3A_116 : vector<16xf32>
      %add3A_118 = arith.constant 1.000000e+00 : f32
      %add3A_119 = vector.broadcast %add3A_118 : f32 to vector<16xf32>
      %add3A_120 = arith.addf %exp3A_117, %add3A_119 : vector<16xf32>
      %div3A_121 = arith.constant 2.000000e+00 : f32
      %div3A_122 = vector.broadcast %div3A_121 : f32 to vector<16xf32>
      %div3A_123 = arith.divf %div3A_122, %add3A_120 : vector<16xf32>
      %sub3A_124 = arith.constant 1.000000e+00 : f32
      %sub3A_125 = vector.broadcast %sub3A_124 : f32 to vector<16xf32>
      %sub3A_126 = arith.subf %sub3A_125, %div3A_123 : vector<16xf32>
      %mul3A_127 = arith.constant 0.00349065848 : f32
      %mul3A_128 = vector.broadcast %mul3A_127 : f32 to vector<16xf32>
      %mul3A_129 = arith.mulf %mul3A_128, %sub3A_126 : vector<16xf32>
      %mul3A_130 = arith.mulf %mul3A_97, %mul3A_97 : vector<16xf32>
      %mul3A_131 = arith.mulf %mul3A_113, %mul3A_113 : vector<16xf32>
      %add3A_132 = arith.addf %mul3A_130, %mul3A_131 : vector<16xf32>
      %mul3A_133 = arith.mulf %mul3A_129, %mul3A_129 : vector<16xf32>
      %add3A_134 = arith.addf %add3A_132, %mul3A_133 : vector<16xf32>
      %mul3A_135 = arith.constant 2.500000e-01 : f32
      %mul3A_136 = vector.broadcast %mul3A_135 : f32 to vector<16xf32>
      %mul3A_137 = arith.mulf %mul3A_136, %add3A_134 : vector<16xf32>
      %mul3A_138 = arith.constant 5.000000e-01 : f32
      %mul3A_139 = vector.broadcast %mul3A_138 : f32 to vector<16xf32>
      %mul3A_140 = arith.mulf %mul3A_139, %mul3A_137 : vector<16xf32>
      %sub3A_141 = arith.constant 1.000000e+00 : f32
      %sub3A_142 = vector.broadcast %sub3A_141 : f32 to vector<16xf32>
      %sub3A_143 = arith.subf %sub3A_142, %mul3A_140 : vector<16xf32>
      %mul3A_144 = arith.constant 0.0416666679 : f32
      %mul3A_145 = vector.broadcast %mul3A_144 : f32 to vector<16xf32>
      %mul3A_146 = arith.mulf %mul3A_145, %mul3A_137 : vector<16xf32>
      %mul3A_147 = arith.mulf %mul3A_146, %mul3A_137 : vector<16xf32>
      %add3A_148 = arith.addf %sub3A_143, %mul3A_147 : vector<16xf32>
      %mul3A_149 = arith.constant 0.020833334 : f32
      %mul3A_150 = vector.broadcast %mul3A_149 : f32 to vector<16xf32>
      %mul3A_151 = arith.mulf %mul3A_150, %add3A_134 : vector<16xf32>
      %sub3A_152 = arith.constant 5.000000e-01 : f32
      %sub3A_153 = vector.broadcast %sub3A_152 : f32 to vector<16xf32>
      %sub3A_154 = arith.subf %sub3A_153, %mul3A_151 : vector<16xf32>
      %mul3A_155 = arith.constant 2.6041668E-4 : f32
      %mul3A_156 = vector.broadcast %mul3A_155 : f32 to vector<16xf32>
      %mul3A_157 = arith.mulf %mul3A_156, %add3A_134 : vector<16xf32>
      %mul3A_158 = arith.mulf %mul3A_157, %add3A_134 : vector<16xf32>
      %add3A_159 = arith.addf %sub3A_154, %mul3A_158 : vector<16xf32>
      %mul3A_160 = arith.mulf %mul3A_97, %add3A_159 : vector<16xf32>
      %mul3A_161 = arith.mulf %mul3A_113, %add3A_159 : vector<16xf32>
      %mul3A_162 = arith.mulf %mul3A_129, %add3A_159 : vector<16xf32>
      %mul3A_163 = arith.mulf %add3A_148, %add3A_148 : vector<16xf32>
      %mul3A_164 = arith.mulf %mul3A_160, %mul3A_160 : vector<16xf32>
      %add3A_165 = arith.addf %mul3A_163, %mul3A_164 : vector<16xf32>
      %mul3A_166 = arith.mulf %mul3A_161, %mul3A_161 : vector<16xf32>
      %add3A_167 = arith.addf %add3A_165, %mul3A_166 : vector<16xf32>
      %mul3A_168 = arith.mulf %mul3A_162, %mul3A_162 : vector<16xf32>
      %add3A_169 = arith.addf %add3A_167, %mul3A_168 : vector<16xf32>
      %div3A_170 = arith.constant 2.000000e+00 : f32
      %div3A_171 = vector.broadcast %div3A_170 : f32 to vector<16xf32>
      %div3A_172 = arith.divf %div3A_171, %add3A_169 : vector<16xf32>
      %mul3A_173 = arith.mulf %mul3A_161, %mul3A_161 : vector<16xf32>
      %mul3A_174 = arith.mulf %mul3A_162, %mul3A_162 : vector<16xf32>
      %add3A_175 = arith.addf %mul3A_173, %mul3A_174 : vector<16xf32>
      %mul3A_176 = arith.mulf %div3A_172, %add3A_175 : vector<16xf32>
      %sub3A_177 = arith.constant 1.000000e+00 : f32
      %sub3A_178 = vector.broadcast %sub3A_177 : f32 to vector<16xf32>
      %sub3A_179 = arith.subf %sub3A_178, %mul3A_176 : vector<16xf32>
      %mul3A_180 = arith.mulf %mul3A_160, %mul3A_161 : vector<16xf32>
      %mul3A_181 = arith.mulf %mul3A_162, %add3A_148 : vector<16xf32>
      %sub3A_182 = arith.subf %mul3A_180, %mul3A_181 : vector<16xf32>
      %mul3A_183 = arith.mulf %div3A_172, %sub3A_182 : vector<16xf32>
      %mul3A_184 = arith.mulf %mul3A_160, %mul3A_162 : vector<16xf32>
      %mul3A_185 = arith.mulf %mul3A_161, %add3A_148 : vector<16xf32>
      %add3A_186 = arith.addf %mul3A_184, %mul3A_185 : vector<16xf32>
      %mul3A_187 = arith.mulf %div3A_172, %add3A_186 : vector<16xf32>
      %mul3A_188 = arith.mulf %mul3A_160, %mul3A_161 : vector<16xf32>
      %mul3A_189 = arith.mulf %mul3A_162, %add3A_148 : vector<16xf32>
      %add3A_190 = arith.addf %mul3A_188, %mul3A_189 : vector<16xf32>
      %mul3A_191 = arith.mulf %div3A_172, %add3A_190 : vector<16xf32>
      %mul3A_192 = arith.mulf %mul3A_160, %mul3A_160 : vector<16xf32>
      %mul3A_193 = arith.mulf %mul3A_162, %mul3A_162 : vector<16xf32>
      %add3A_194 = arith.addf %mul3A_192, %mul3A_193 : vector<16xf32>
      %mul3A_195 = arith.mulf %div3A_172, %add3A_194 : vector<16xf32>
      %sub3A_196 = arith.constant 1.000000e+00 : f32
      %sub3A_197 = vector.broadcast %sub3A_196 : f32 to vector<16xf32>
      %sub3A_198 = arith.subf %sub3A_197, %mul3A_195 : vector<16xf32>
      %mul3A_199 = arith.mulf %mul3A_161, %mul3A_162 : vector<16xf32>
      %mul3A_200 = arith.mulf %mul3A_160, %add3A_148 : vector<16xf32>
      %sub3A_201 = arith.subf %mul3A_199, %mul3A_200 : vector<16xf32>
      %mul3A_202 = arith.mulf %div3A_172, %sub3A_201 : vector<16xf32>
      %mul3A_203 = arith.mulf %mul3A_160, %mul3A_162 : vector<16xf32>
      %mul3A_204 = arith.mulf %mul3A_161, %add3A_148 : vector<16xf32>
      %sub3A_205 = arith.subf %mul3A_203, %mul3A_204 : vector<16xf32>
      %mul3A_206 = arith.mulf %div3A_172, %sub3A_205 : vector<16xf32>
      %mul3A_207 = arith.mulf %mul3A_161, %mul3A_162 : vector<16xf32>
      %mul3A_208 = arith.mulf %mul3A_160, %add3A_148 : vector<16xf32>
      %add3A_209 = arith.addf %mul3A_207, %mul3A_208 : vector<16xf32>
      %mul3A_210 = arith.mulf %div3A_172, %add3A_209 : vector<16xf32>
      %mul3A_211 = arith.mulf %mul3A_160, %mul3A_160 : vector<16xf32>
      %mul3A_212 = arith.mulf %mul3A_161, %mul3A_161 : vector<16xf32>
      %add3A_213 = arith.addf %mul3A_211, %mul3A_212 : vector<16xf32>
      %mul3A_214 = arith.mulf %div3A_172, %add3A_213 : vector<16xf32>
      %sub3A_215 = arith.constant 1.000000e+00 : f32
      %sub3A_216 = vector.broadcast %sub3A_215 : f32 to vector<16xf32>
      %sub3A_217 = arith.subf %sub3A_216, %mul3A_214 : vector<16xf32>
      %mul3A_218 = arith.constant 2.000000e+00 : f32
      %mul3A_219 = vector.broadcast %mul3A_218 : f32 to vector<16xf32>
      %mul3A_220 = arith.mulf %mul3A_219, %get3A_74 : vector<16xf32>
      %exp3A_221 = math.exp %mul3A_220 : vector<16xf32>
      %add3A_222 = arith.constant 1.000000e+00 : f32
      %add3A_223 = vector.broadcast %add3A_222 : f32 to vector<16xf32>
      %add3A_224 = arith.addf %exp3A_221, %add3A_223 : vector<16xf32>
      %div3A_225 = arith.constant 2.000000e+00 : f32
      %div3A_226 = vector.broadcast %div3A_225 : f32 to vector<16xf32>
      %div3A_227 = arith.divf %div3A_226, %add3A_224 : vector<16xf32>
      %sub3A_228 = arith.constant 1.000000e+00 : f32
      %sub3A_229 = vector.broadcast %sub3A_228 : f32 to vector<16xf32>
      %sub3A_230 = arith.subf %sub3A_229, %div3A_227 : vector<16xf32>
      %mul3A_231 = arith.constant 5.000000e-02 : f32
      %mul3A_232 = vector.broadcast %mul3A_231 : f32 to vector<16xf32>
      %mul3A_233 = arith.mulf %mul3A_232, %sub3A_230 : vector<16xf32>
      %mul3A_234 = arith.constant 2.000000e+00 : f32
      %mul3A_235 = vector.broadcast %mul3A_234 : f32 to vector<16xf32>
      %mul3A_236 = arith.mulf %mul3A_235, %get3A_79 : vector<16xf32>
      %exp3A_237 = math.exp %mul3A_236 : vector<16xf32>
      %add3A_238 = arith.constant 1.000000e+00 : f32
      %add3A_239 = vector.broadcast %add3A_238 : f32 to vector<16xf32>
      %add3A_240 = arith.addf %exp3A_237, %add3A_239 : vector<16xf32>
      %div3A_241 = arith.constant 2.000000e+00 : f32
      %div3A_242 = vector.broadcast %div3A_241 : f32 to vector<16xf32>
      %div3A_243 = arith.divf %div3A_242, %add3A_240 : vector<16xf32>
      %sub3A_244 = arith.constant 1.000000e+00 : f32
      %sub3A_245 = vector.broadcast %sub3A_244 : f32 to vector<16xf32>
      %sub3A_246 = arith.subf %sub3A_245, %div3A_243 : vector<16xf32>
      %mul3A_247 = arith.constant 5.000000e-02 : f32
      %mul3A_248 = vector.broadcast %mul3A_247 : f32 to vector<16xf32>
      %mul3A_249 = arith.mulf %mul3A_248, %sub3A_246 : vector<16xf32>
      %mul3A_250 = arith.constant 2.000000e+00 : f32
      %mul3A_251 = vector.broadcast %mul3A_250 : f32 to vector<16xf32>
      %mul3A_252 = arith.mulf %mul3A_251, %get3A_84 : vector<16xf32>
      %exp3A_253 = math.exp %mul3A_252 : vector<16xf32>
      %add3A_254 = arith.constant 1.000000e+00 : f32
      %add3A_255 = vector.broadcast %add3A_254 : f32 to vector<16xf32>
      %add3A_256 = arith.addf %exp3A_253, %add3A_255 : vector<16xf32>
      %div3A_257 = arith.constant 2.000000e+00 : f32
      %div3A_258 = vector.broadcast %div3A_257 : f32 to vector<16xf32>
      %div3A_259 = arith.divf %div3A_258, %add3A_256 : vector<16xf32>
      %sub3A_260 = arith.constant 1.000000e+00 : f32
      %sub3A_261 = vector.broadcast %sub3A_260 : f32 to vector<16xf32>
      %sub3A_262 = arith.subf %sub3A_261, %div3A_259 : vector<16xf32>
      %mul3A_263 = arith.constant 5.000000e-02 : f32
      %mul3A_264 = vector.broadcast %mul3A_263 : f32 to vector<16xf32>
      %mul3A_265 = arith.mulf %mul3A_264, %sub3A_262 : vector<16xf32>
      %swap3A = arith.constant 0 : i32
      %swap3A_266 = arith.index_cast %swap3A : i32 to index
      %swap3A_267 = arith.index_cast %mul3A_59 : i32 to index
      %swap3A_268 = tpu.vector_load %arg13[%swap3A_266, %swap3A_267] {strides = array<i32>} : memref<16x512xf32, #tpu.memory_space<vmem>>, vector<1x16xf32>,
      %swap3A_269 = vector.shape_cast %swap3A_268 : vector<1x16xf32> to vector<16xf32>
      %swap3A_270 = vector.shape_cast %sub3A_179 : vector<16xf32> to vector<1x16xf32>
      tpu.vector_store %arg13[%swap3A_266, %swap3A_267], %swap3A_270 {strides = array<i32>} : memref<16x512xf32, #tpu.memory_space<vmem>>, vector<1x16xf32>,
      %swap3A_271 = arith.constant 1 : i32
      %swap3A_272 = arith.index_cast %swap3A_271 : i32 to index
      %swap3A_273 = arith.index_cast %mul3A_59 : i32 to index
      %swap3A_274 = tpu.vector_load %arg13[%swap3A_272, %swap3A_273] {strides = array<i32>} : memref<16x512xf32, #tpu.memory_space<vmem>>, vector<1x16xf32>,
      %swap3A_275 = vector.shape_cast %swap3A_274 : vector<1x16xf32> to vector<16xf32>
      %swap3A_276 = vector.shape_cast %mul3A_183 : vector<16xf32> to vector<1x16xf32>
      tpu.vector_store %arg13[%swap3A_272, %swap3A_273], %swap3A_276 {strides = array<i32>} : memref<16x512xf32, #tpu.memory_space<vmem>>, vector<1x16xf32>,
      %swap3A_277 = arith.constant 2 : i32
      %swap3A_278 = arith.index_cast %swap3A_277 : i32 to index
      %swap3A_279 = arith.index_cast %mul3A_59 : i32 to index
      %swap3A_280 = tpu.vector_load %arg13[%swap3A_278, %swap3A_279] {strides = array<i32>} : memref<16x512xf32, #tpu.memory_space<vmem>>, vector<1x16xf32>,
      %swap3A_281 = vector.shape_cast %swap3A_280 : vector<1x16xf32> to vector<16xf32>
      %swap3A_282 = vector.shape_cast %mul3A_187 : vector<16xf32> to vector<1x16xf32>
      tpu.vector_store %arg13[%swap3A_278, %swap3A_279], %swap3A_282 {strides = array<i32>} : memref<16x512xf32, #tpu.memory_space<vmem>>, vector<1x16xf32>,
      %swap3A_283 = arith.constant 3 : i32
      %swap3A_284 = arith.index_cast %swap3A_283 : i32 to index
      %swap3A_285 = arith.index_cast %mul3A_59 : i32 to index
      %swap3A_286 = tpu.vector_load %arg13[%swap3A_284, %swap3A_285] {strides = array<i32>} : memref<16x512xf32, #tpu.memory_space<vmem>>, vector<1x16xf32>,
      %swap3A_287 = vector.shape_cast %swap3A_286 : vector<1x16xf32> to vector<16xf32>
      %swap3A_288 = vector.shape_cast %mul3A_233 : vector<16xf32> to vector<1x16xf32>
      tpu.vector_store %arg13[%swap3A_284, %swap3A_285], %swap3A_288 {strides = array<i32>} : memref<16x512xf32, #tpu.memory_space<vmem>>, vector<1x16xf32>,
      %swap3A_289 = arith.constant 4 : i32
      %swap3A_290 = arith.index_cast %swap3A_289 : i32 to index
      %swap3A_291 = arith.index_cast %mul3A_59 : i32 to index
      %swap3A_292 = tpu.vector_load %arg13[%swap3A_290, %swap3A_291] {strides = array<i32>} : memref<16x512xf32, #tpu.memory_space<vmem>>, vector<1x16xf32>,
      %swap3A_293 = vector.shape_cast %swap3A_292 : vector<1x16xf32> to vector<16xf32>
      %swap3A_294 = vector.shape_cast %mul3A_191 : vector<16xf32> to vector<1x16xf32>
      tpu.vector_store %arg13[%swap3A_290, %swap3A_291], %swap3A_294 {strides = array<i32>} : memref<16x512xf32, #tpu.memory_space<vmem>>, vector<1x16xf32>,
      %swap3A_295 = arith.constant 5 : i32
      %swap3A_296 = arith.index_cast %swap3A_295 : i32 to index
      %swap3A_297 = arith.index_cast %mul3A_59 : i32 to index
      %swap3A_298 = tpu.vector_load %arg13[%swap3A_296, %swap3A_297] {strides = array<i32>} : memref<16x512xf32, #tpu.memory_space<vmem>>, vector<1x16xf32>,
      %swap3A_299 = vector.shape_cast %swap3A_298 : vector<1x16xf32> to vector<16xf32>
      %swap3A_300 = vector.shape_cast %sub3A_198 : vector<16xf32> to vector<1x16xf32>
      tpu.vector_store %arg13[%swap3A_296, %swap3A_297], %swap3A_300 {strides = array<i32>} : memref<16x512xf32, #tpu.memory_space<vmem>>, vector<1x16xf32>,
      %swap3A_301 = arith.constant 6 : i32
      %swap3A_302 = arith.index_cast %swap3A_301 : i32 to index
      %swap3A_303 = arith.index_cast %mul3A_59 : i32 to index
      %swap3A_304 = tpu.vector_load %arg13[%swap3A_302, %swap3A_303] {strides = array<i32>} : memref<16x512xf32, #tpu.memory_space<vmem>>, vector<1x16xf32>,
      %swap3A_305 = vector.shape_cast %swap3A_304 : vector<1x16xf32> to vector<16xf32>
      %swap3A_306 = vector.shape_cast %mul3A_202 : vector<16xf32> to vector<1x16xf32>
      tpu.vector_store %arg13[%swap3A_302, %swap3A_303], %swap3A_306 {strides = array<i32>} : memref<16x512xf32, #tpu.memory_space<vmem>>, vector<1x16xf32>,
      %swap3A_307 = arith.constant 7 : i32
      %swap3A_308 = arith.index_cast %swap3A_307 : i32 to index
      %swap3A_309 = arith.index_cast %mul3A_59 : i32 to index
      %swap3A_310 = tpu.vector_load %arg13[%swap3A_308, %swap3A_309] {strides = array<i32>} : memref<16x512xf32, #tpu.memory_space<vmem>>, vector<1x16xf32>,
      %swap3A_311 = vector.shape_cast %swap3A_310 : vector<1x16xf32> to vector<16xf32>
      %swap3A_312 = vector.shape_cast %mul3A_249 : vector<16xf32> to vector<1x16xf32>
      tpu.vector_store %arg13[%swap3A_308, %swap3A_309], %swap3A_312 {strides = array<i32>} : memref<16x512xf32, #tpu.memory_space<vmem>>, vector<1x16xf32>,
      %swap3A_313 = arith.constant 8 : i32
      %swap3A_314 = arith.index_cast %swap3A_313 : i32 to index
      %swap3A_315 = arith.index_cast %mul3A_59 : i32 to index
      %swap3A_316 = tpu.vector_load %arg13[%swap3A_314, %swap3A_315] {strides = array<i32>} : memref<16x512xf32, #tpu.memory_space<vmem>>, vector<1x16xf32>,
      %swap3A_317 = vector.shape_cast %swap3A_316 : vector<1x16xf32> to vector<16xf32>
      %swap3A_318 = vector.shape_cast %mul3A_206 : vector<16xf32> to vector<1x16xf32>
      tpu.vector_store %arg13[%swap3A_314, %swap3A_315], %swap3A_318 {strides = array<i32>} : memref<16x512xf32, #tpu.memory_space<vmem>>, vector<1x16xf32>,
      %swap3A_319 = arith.constant 9 : i32
      %swap3A_320 = arith.index_cast %swap3A_319 : i32 to index
      %swap3A_321 = arith.index_cast %mul3A_59 : i32 to index
      %swap3A_322 = tpu.vector_load %arg13[%swap3A_320, %swap3A_321] {strides = array<i32>} : memref<16x512xf32, #tpu.memory_space<vmem>>, vector<1x16xf32>,
      %swap3A_323 = vector.shape_cast %swap3A_322 : vector<1x16xf32> to vector<16xf32>
      %swap3A_324 = vector.shape_cast %mul3A_210 : vector<16xf32> to vector<1x16xf32>
      tpu.vector_store %arg13[%swap3A_320, %swap3A_321], %swap3A_324 {strides = array<i32>} : memref<16x512xf32, #tpu.memory_space<vmem>>, vector<1x16xf32>,
      %swap3A_325 = arith.constant 10 : i32
      %swap3A_326 = arith.index_cast %swap3A_325 : i32 to index
      %swap3A_327 = arith.index_cast %mul3A_59 : i32 to index
      %swap3A_328 = tpu.vector_load %arg13[%swap3A_326, %swap3A_327] {strides = array<i32>} : memref<16x512xf32, #tpu.memory_space<vmem>>, vector<1x16xf32>,
      %swap3A_329 = vector.shape_cast %swap3A_328 : vector<1x16xf32> to vector<16xf32>
      %swap3A_330 = vector.shape_cast %sub3A_217 : vector<16xf32> to vector<1x16xf32>
      tpu.vector_store %arg13[%swap3A_326, %swap3A_327], %swap3A_330 {strides = array<i32>} : memref<16x512xf32, #tpu.memory_space<vmem>>, vector<1x16xf32>,
      %swap3A_331 = arith.constant 11 : i32
      %swap3A_332 = arith.index_cast %swap3A_331 : i32 to index
      %swap3A_333 = arith.index_cast %mul3A_59 : i32 to index
      %swap3A_334 = tpu.vector_load %arg13[%swap3A_332, %swap3A_333] {strides = array<i32>} : memref<16x512xf32, #tpu.memory_space<vmem>>, vector<1x16xf32>,
      %swap3A_335 = vector.shape_cast %swap3A_334 : vector<1x16xf32> to vector<16xf32>
      %swap3A_336 = vector.shape_cast %mul3A_265 : vector<16xf32> to vector<1x16xf32>
      tpu.vector_store %arg13[%swap3A_332, %swap3A_333], %swap3A_336 {strides = array<i32>} : memref<16x512xf32, #tpu.memory_space<vmem>>, vector<1x16xf32>,
      %swap3A_337 = arith.constant 12 : i32
      %swap3A_338 = arith.index_cast %swap3A_337 : i32 to index
      %swap3A_339 = arith.index_cast %mul3A_59 : i32 to index
      %swap3A_340 = tpu.vector_load %arg13[%swap3A_338, %swap3A_339] {strides = array<i32>} : memref<16x512xf32, #tpu.memory_space<vmem>>, vector<1x16xf32>,
      %swap3A_341 = vector.shape_cast %swap3A_340 : vector<1x16xf32> to vector<16xf32>
      %swap3A_342 = vector.shape_cast %broadcast_in_dim3A_49 : vector<16xf32> to vector<1x16xf32>
      tpu.vector_store %arg13[%swap3A_338, %swap3A_339], %swap3A_342 {strides = array<i32>} : memref<16x512xf32, #tpu.memory_space<vmem>>, vector<1x16xf32>,
      %swap3A_343 = arith.constant 13 : i32
      %swap3A_344 = arith.index_cast %swap3A_343 : i32 to index
      %swap3A_345 = arith.index_cast %mul3A_59 : i32 to index
      %swap3A_346 = tpu.vector_load %arg13[%swap3A_344, %swap3A_345] {strides = array<i32>} : memref<16x512xf32, #tpu.memory_space<vmem>>, vector<1x16xf32>,
      %swap3A_347 = vector.shape_cast %swap3A_346 : vector<1x16xf32> to vector<16xf32>
      %swap3A_348 = vector.shape_cast %broadcast_in_dim3A_49 : vector<16xf32> to vector<1x16xf32>
      tpu.vector_store %arg13[%swap3A_344, %swap3A_345], %swap3A_348 {strides = array<i32>} : memref<16x512xf32, #tpu.memory_space<vmem>>, vector<1x16xf32>,
      %swap3A_349 = arith.constant 14 : i32
      %swap3A_350 = arith.index_cast %swap3A_349 : i32 to index
      %swap3A_351 = arith.index_cast %mul3A_59 : i32 to index
      %swap3A_352 = tpu.vector_load %arg13[%swap3A_350, %swap3A_351] {strides = array<i32>} : memref<16x512xf32, #tpu.memory_space<vmem>>, vector<1x16xf32>,
      %swap3A_353 = vector.shape_cast %swap3A_352 : vector<1x16xf32> to vector<16xf32>
      %swap3A_354 = vector.shape_cast %broadcast_in_dim3A_49 : vector<16xf32> to vector<1x16xf32>
      tpu.vector_store %arg13[%swap3A_350, %swap3A_351], %swap3A_354 {strides = array<i32>} : memref<16x512xf32, #tpu.memory_space<vmem>>, vector<1x16xf32>,
      %swap3A_355 = arith.constant 15 : i32
      %swap3A_356 = arith.index_cast %swap3A_355 : i32 to index
      %swap3A_357 = arith.index_cast %mul3A_59 : i32 to index
      %swap3A_358 = tpu.vector_load %arg13[%swap3A_356, %swap3A_357] {strides = array<i32>} : memref<16x512xf32, #tpu.memory_space<vmem>>, vector<1x16xf32>,
      %swap3A_359 = vector.shape_cast %swap3A_358 : vector<1x16xf32> to vector<16xf32>
      %swap3A_360 = vector.shape_cast %broadcast_in_dim3A_51 : vector<16xf32> to vector<1x16xf32>
      tpu.vector_store %arg13[%swap3A_356, %swap3A_357], %swap3A_360 {strides = array<i32>} : memref<16x512xf32, #tpu.memory_space<vmem>>, vector<1x16xf32>,
    }
    %scan3A_56 = arith.constant 32 : i32
    "tpu.region"() ({
      %run_scoped3A = tpu.sem_alloc : memref<!tpu.dma_semaphore, #tpu.memory_space<semaphore_mem>>
      %dma_start3A_57 = arith.constant 0 : i32
      %dma_start3A_58 = tpu.memref_slice %arg9[%dma_start3A_57, %mul3A_2] : memref<16x16384xf32, #tpu.memory_space<hbm>> -> memref<16x512xf32, #tpu.memory_space<hbm>>
      %dma_start3A_59 = arith.constant 0 : i32
      %dma_start3A_60 = tpu.memref_slice %arg9[%dma_start3A_59, %mul3A_2] : memref<16x16384xf32, #tpu.memory_space<hbm>> -> memref<16x512xf32, #tpu.memory_space<hbm>>
      tpu.enqueue_dma source(%arg13 : memref<16x512xf32, #tpu.memory_space<vmem>>) target(%dma_start3A_60 : memref<16x512xf32, #tpu.memory_space<hbm>>) target_semaphore(%run_scoped3A : memref<!tpu.dma_semaphore, #tpu.memory_space<semaphore_mem>>)
      %dma_wait3A_61 = arith.constant 0 : i32
      %dma_wait3A_62 = tpu.memref_slice %arg9[%dma_wait3A_61, %mul3A_2] : memref<16x16384xf32, #tpu.memory_space<hbm>> -> memref<16x512xf32, #tpu.memory_space<hbm>>
      %dma_wait3A_63 = arith.constant 0 : i32
      %dma_wait3A_64 = tpu.memref_slice %arg9[%dma_wait3A_63, %mul3A_2] : memref<16x16384xf32, #tpu.memory_space<hbm>> -> memref<16x512xf32, #tpu.memory_space<hbm>>
      tpu.wait_dma2 semaphore(%run_scoped3A : memref<!tpu.dma_semaphore, #tpu.memory_space<semaphore_mem>>) src(%arg13 : memref<16x512xf32, #tpu.memory_space<vmem>>) dst(%dma_wait3A_64 : memref<16x512xf32, #tpu.memory_space<hbm>>)
      tpu.yield
    }) : () -> ()
    return
  }
}

</mosaic_0001>

<sc_bundles>
// kernel: kernel.3.cloned.1.call-start
scs
__scs_entry_jumppad:
0x0: {  	(pc) =	sbr.rel $0x88, $3  }
0x1: {  	(tag) =	ssettag $0x0;
	lr =	simm.s32 $0x1  }
0x2: {  	[smem:$0x3F9E] =	sst lr;
	_ =	strace $0xD0000000  }
0x3: {  	_ = 	snop  }
0x4: {  	_ = 	snop  }
0x5: {  	_ = 	snop  }
0x6: {  	_ = 	snop  }
0x7: {  	_ = 	snop  }
__scs_overlays_trampoline_lowered:
0x8: {  	[smem:$0x3FAD] =	sst s0  }
0x9: {  	[smem:$0x3FAE] =	sst s1  }
0xa: {  	[smem:$0x3FAF] =	sst s2  }
0xb: {  	[smem:$0x3FB0] =	sst s3  }
0xc: {  	[smem:$0x3FB1] =	sst s4  }
0xd: {  	[smem:$0x3FB2] =	sst s5  }
0xe: {  	[smem:$0x3FB3] =	sst s6  }
0xf: {  	[smem:$0x3FB4] =	sst s7  }
0x10: {  	[smem:$0x3FB5] =	sst s8  }
0x11: {  	[smem:$0x3FB6] =	sst s9;
	s0 =	simm.s32 @!p0 $0x0  }
0x12: {  	s1 =	sld [smem:$0x3F9C];
	s0 =	simm.s32 @p0 $0x1  }
0x13: {  	[smem:$0x3FB7] =	sst s0;
	s0 =	simm.s32 @!p1 $0x0  }
0x14: {  	s2 =	sld [smem:$0x3F9B];
	s0 =	simm.s32 @p1 $0x1  }
0x15: {  	[smem:$0x3FB8] =	sst s0;
	s0 =	simm.s32 @!p2 $0x0  }
0x16: {  	s3 =	sld [smem:$0x3FDB];
	s0 =	simm.s32 @p2 $0x1  }
0x17: {  	s4 =	simm.s32 $0x1BF5;
	[smem:$0x3FBA] =	sst s0  }
0x18: {  	s0 =	sld [smem:$0x3F9D];
	_ =	swait.ge [sflag:s4], $0x0  }
0x19: {  	s7 =	sld [smem:$0x3F9E]  }
0x1a: {  	s8 =	sadd.s32 $0xFFFFE003, lr  }
0x1b: {  	s9 =	sadd.s32 $0xFFFFFEF7, lr;
	s5 =	simm.s32 $0xFFFFFFFF;
	p2 =	slt.u32 s8, $0xFFFFF086  }
0x1c: {  	p1 =	slt.u32 s9, $0xF7A;
	s5 =	simm.s32 @!p2 $0x0  }
0x1d: {  	s5 =	simm.s32 @p1 $0x1;
	p0 =	seq.s32 s7, s2  }
0x1e: {  	s7 =	smul.u32 @!p0 $0xF7A, s2;
	p2 =	seq.s32 @!p0 s5, $0x0  }
0x1f: {  	s9 =	smul.u32 $0xF7A, s1;
	s8 =	simm.s32 @!p0 $0x1BF5;
	p2 =	por !p2, p0  }
0x20: {  	[sflag:s8] =	ssyncset.s32 @!p0 $0xFFFFF086;
	s6 =	sadd.s32 @!p0 s3, s7;
	s7 =	simm.s32 @!p0 $0x108  }
0x21: {  	s3 =	sadd.s32 s3, s9;
	s6 =	sadd.s32 @!p0 $0x88, s6;
	s7 =	simm.s32 @p2 $0x1082  }
0x22: {  	[simem:s7], [sflag:s8] =	dma.local @!p0 [hbm:s6], $0xF7A  }
0x23: {  	s9 =	sor.u32 $0xD0000000, s2;
	s6 =	simm.s32 $0x108;
	_ =	swait.ge @!p0 [sflag:s8], $0x0  }
0x24: {  	s3 =	sadd.s32 $0x88, s3;
	s6 =	simm.s32 @!p1 $0x1082;
	[sflag:s4] =	ssyncset.s32 $0xFFFFF086  }
0x25: {  	[simem:s6], [sflag:s4] =	dma.local [hbm:s3], $0xF7A  }
0x26: {  	[smem:$0x3F9E] =	sst s1;
	(tag) =	ssettag s2;
	_ =	strace s9  }
0x27: {  	s1 =	sld [smem:$0x3FAE]  }
0x28: {  	s2 =	sld [smem:$0x3FAF]  }
0x29: {  	s4 =	sld [smem:$0x3FB1]  }
0x2a: {  	p0 =	seq.s32 s5, $0x0;
	s5 =	sld [smem:$0x3FB2]  }
0x2b: {  	s6 =	sld [smem:$0x3FB3]  }
0x2c: {  	s7 =	sld [smem:$0x3FB4]  }
0x2d: {  	s3 =	simm.s32 $0x108;
	s8 =	sld [smem:$0x3FB5]  }
0x2e: {  	s3 =	simm.s32 @!p0 $0x1082;
	s9 =	sld [smem:$0x3FB6]  }
0x2f: {  	lr =	sadd.s32 s0, s3;
	s0 =	sld [smem:$0x3FAD]  }
0x30: {  	s3 =	sld [smem:$0x3FB0]  }
0x31: {  	[smem:$0x3FB9] =	sst s10  }
0x32: {  	s10 =	sld [smem:$0x3FB7];
	_ =	sdelay $0x3  }
0x33: {  	p0 =	seq.s32 s10, $0x1;
	s10 =	sld [smem:$0x3FB9];
	_ =	sdelay $0x3  }
0x34: {  	[smem:$0x3FB9] =	sst s10  }
0x35: {  	s10 =	sld [smem:$0x3FB8];
	_ =	sdelay $0x3  }
0x36: {  	p1 =	seq.s32 s10, $0x1;
	s10 =	sld [smem:$0x3FB9];
	_ =	sdelay $0x3  }
0x37: {  	[smem:$0x3FB9] =	sst s10  }
0x38: {  	s10 =	sld [smem:$0x3FBA]  }
0x39: {  	_ = 	snop;
	(pc) =	sbr.ind lr, $3  }
0x3a: {  	_ = 	snop  }
0x3b: {  	_ = 	snop  }
0x3c: {  	p2 =	seq.s32 s10, $0x1;
	s10 =	sld [smem:$0x3FB9]  }
0x3d: {  	_ =	shalt  }
0x3e: {  	_ =	shalt  }
0x3f: {  	_ =	shalt  }
0x40: {  	_ =	shalt  }
0x41: {  	_ =	shalt  }
0x42: {  	_ =	shalt  }
0x43: {  	_ =	shalt  }
0x44: {  	_ =	shalt  }
0x45: {  	_ =	shalt  }
0x46: {  	_ =	shalt  }
0x47: {  	_ =	shalt  }
0x48: {  	_ =	shalt  }
0x49: {  	_ =	shalt  }
0x4a: {  	_ =	shalt  }
0x4b: {  	_ =	shalt  }
0x4c: {  	_ =	shalt  }
0x4d: {  	_ =	shalt  }
0x4e: {  	_ =	shalt  }
0x4f: {  	_ =	shalt  }
0x50: {  	_ =	shalt  }
0x51: {  	_ =	shalt  }
0x52: {  	_ =	shalt  }
0x53: {  	_ =	shalt  }
0x54: {  	_ =	shalt  }
0x55: {  	_ =	shalt  }
0x56: {  	_ =	shalt  }
0x57: {  	_ =	shalt  }
0x58: {  	_ =	shalt  }
0x59: {  	_ =	shalt  }
0x5a: {  	_ =	shalt  }
0x5b: {  	_ =	shalt  }
0x5c: {  	_ =	shalt  }
0x5d: {  	_ =	shalt  }
0x5e: {  	_ =	shalt  }
0x5f: {  	_ =	shalt  }
0x60: {  	_ =	shalt  }
0x61: {  	_ =	shalt  }
0x62: {  	_ =	shalt  }
0x63: {  	_ =	shalt  }
0x64: {  	_ =	shalt  }
0x65: {  	_ =	shalt  }
0x66: {  	_ =	shalt  }
0x67: {  	_ =	shalt  }
0x68: {  	_ =	shalt  }
0x69: {  	_ =	shalt  }
0x6a: {  	_ =	shalt  }
0x6b: {  	_ =	shalt  }
0x6c: {  	_ =	shalt  }
0x6d: {  	_ =	shalt  }
0x6e: {  	_ =	shalt  }
0x6f: {  	_ =	shalt  }
0x70: {  	_ =	shalt  }
0x71: {  	_ =	shalt  }
0x72: {  	_ =	shalt  }
0x73: {  	_ =	shalt  }
0x74: {  	_ =	shalt  }
0x75: {  	_ =	shalt  }
0x76: {  	_ =	shalt  }
0x77: {  	_ =	shalt  }
0x78: {  	_ =	shalt  }
0x79: {  	_ =	shalt  }
0x7a: {  	_ =	shalt  }
0x7b: {  	_ =	shalt  }
0x7c: {  	_ =	shalt  }
0x7d: {  	_ =	shalt  }
0x7e: {  	_ =	shalt  }
0x7f: {  	_ =	shalt  }
0x80: {  	_ =	shalt  }
0x81: {  	_ =	shalt  }
0x82: {  	_ =	shalt  }
0x83: {  	_ =	shalt  }
0x84: {  	_ =	shalt  }
0x85: {  	_ =	shalt  }
0x86: {  	_ =	shalt  }
0x87: {  	_ =	shalt  }
.Lfunc_end0:
.L_simem_size_0:
called_computation_lowered:
.L_overlay_start_0:
0x88: {  	s2 =	sld [smem:$0x3FD9]  }
0x89: {  	s3 =	sld [smem:$0x3FFE];
	_ =	sdelay $0x1  }
0x8a: {  	s1 =	srdreg.scid  }
0x8b: {  	s0 =	sand.u32 $0x1, s1  }
0x8c: {  	s17 =	sshll.u32 s0, $0xA;
	s2 =	sadd.s32 s3, s2  }
0x8d: {  	s2 =	sadd.s32 s2, s17  }
0x8e: {  	[smem:$0x3FC5] =	sst s2  }
0x8f: {  	_ = 	snop  }
0x90: {  	s2 =	sld [smem:$0x3FC9]  }
0x91: {  	s18 =	sld [smem:$0x3FD0];
	(tm) =	ssettm $0x1  }
0x92: {  	s4 =	sld [smem:$0x3FFB];
	_ =	sdelay $0x3  }
0x93: {  	_ =	strace s4  }
0x94: {  	s4 =	sld [smem:$0x3FFC];
	_ =	sdelay $0x3  }
0x95: {  	_ =	strace s4  }
0x96: {  	s4 =	sld [smem:$0x3FFD];
	_ =	sdelay $0x3  }
0x97: {  	_ =	strace s4  }
0x98: {  	_ =	strace $0x8FFFFFFF  }
0x99: {  	s19 =	sld [smem:$0x3FDB];
	_ =	sdelay $0x1  }
0x9a: {  	s5 =	simm.s32 $_scs_section_size  }
0x9b: {  	s6 =	simm.s32 $_size__tile_overlayer_lowered;
	s7 =	simm.s32 $_tile_overlayer_lowered  }
0x9c: {  	s22 =	simm.s32 $0x1BFF;
	s21 =	sshll.u32 s7, $0x1;
	s4 =	sadd.s32 s5, s19  }
0x9d: {  	s8 =	simm.s32 $0x0;
	s20 =	sshll.u32 s6, $0x1;
	s6 =	sadd.s32 s21, s4  }
0x9e: {  	[timem:s8], [sflag:s22] =	dma.local [hbm:s6], s20  }
0x9f: {  	_ =	swait.ge [sflag:s22], s20  }
0xa0: {  	s5 =	ssub.s32 $0x0, s20;
	[sflag:s22] =	ssyncset.done $0x0  }
0xa1: {  	[sflag:s22] =	ssyncadd.s32 s5;
	_ =	sdelay $0x1  }
0xa2: {  	s23 =	simm.s32 $0x1B8B  }
0xa3: {  	_ =	swait.ge [sflag:s23], $0x1  }
0xa4: {  	[sflag:s23] =	ssyncset.done $0x0  }
0xa5: {  	s25 =	simm.s32 $0x1B8E;
	s24 =	sld [smem:$0x3FFE];
	[sflag:s23] =	ssyncadd.s32 $0xFFFFFFFF  }
0xa6: {  	s26 =	simm.s32 $execute0_lowered;
	[smem:$0x3FD2] =	sst s25  }
0xa7: {  	s6 =	sshll.u32 s26, $0x1;
	_ =	strace $0x80000046;
	[dreg:$0x1] =	wrdreg $0xFFFFFFFF  }
0xa8: {  	s28 =	simm.s32 $_size_execute0_lowered;
	s4 =	sadd.s32 s4, s6;
	[dreg:$0x0] =	wrdreg $0x0  }
0xa9: {  	s6 =	sshll.u32 s28, $0x1;
	[dreg:$0x2] =	wrdreg s4  }
0xaa: {  	[dreg:$0x3] =	wrdreg s6  }
0xab: {  	[dreg:$0x4] =	wrdreg $0xC0  }
0xac: {  	_ =	task [dreg:s8], $0x5FFFF  }
0xad: {  	[dreg:$0x1] =	wrdreg $0xFFFFFFFF  }
0xae: {  	[dreg:$0x0] =	wrdreg $0x60  }
0xaf: {  	[dreg:$0x2] =	wrdreg s2  }
0xb0: {  	[dreg:$0x3] =	wrdreg s24  }
0xb1: {  	[dreg:$0x4] =	wrdreg s18  }
0xb2: {  	[dreg:$0x5] =	wrdreg $0x9  }
0xb3: {  	_ =	task.clear_ibuf [dreg:s8], $0x6FFFF;
	_ =	strace $0x90000046  }
0xb4: {  	s29 =	simm.s32 $0x9;
	_ =	strace $0x80000048  }
0xb5: {  	_ =	swait.ge [sflag:s29], $0x1  }
0xb6: {  	[sflag:s29] =	ssyncadd.s32 $0xFFFFFFFF  }
0xb7: {  	_ =	strace $0x90000048  }
0xb8: {  	_ =	sfence  }
0xb9: {  	s30 =	sld [smem:$0x0];
	_ =	sdelay $0x2  }
0xba: {  	s31 =	sshll.u32 s1, $0xD;
	s1 =	sshrl.u32 s1, $0x2  }
0xbb: {  	s3 =	sand.u32 $0x4000, s31;
	s1 =	sadd.s32 s1, s30  }
0xbc: {  	s0 =	sor.u32 s3, s0;
	s1 =	sshll.u32 s1, $0x11  }
0xbd: {  	s0 =	sor.u32 s1, s0  }
0xbe: {  	s0 =	sadd.s32 $0x8F2B, s0  }
0xbf: {  	[sflag:s0] =	ssyncadd.remote.s32 $0x1  }
0xc0: {  	_ =	sfence.sel $0xFFFF  }
0xc1: {  	[dreg:$0x0] =	wrdreg $0xFFFFFFFF;
	(pc) =	sbr.abs _section_cstart, $3  }
0xc2: {  	[dreg:$0x1] =	wrdreg $0xFFFFFFFF  }
0xc3: {  	_ =	task.clear_ibuf [dreg:s8], $0x2FFFF;
	_ =	strace $0x9FFFFFFF  }
0xc4: {  	(tm) =	ssettm $0x7FFFFFFF  }
0xc5: {  	_ =	shalt  }
tec
execute0_lowered:
.L_overlay_start_1:
0x0: {  	(tag) =	ssettag $0x1  }
0x1: {  	s9 =	rddreg [dreg:$0x0]  }
0x2: {  	s1 =	rddreg [dreg:$0x1]  }
0x3: {  	s10 =	rddreg [dreg:$0x2]  }
0x4: {  	s0 =	rddreg [dreg:$0x3];
	s2 =	simm.s32 $0x0  }
0x5: {  	s8 =	srdreg.scid;
	s4 =	stileid.u32;
	s15 =	simm.s32 $0x600  }
0x6: {  	s16 =	simm.s32 $0x800;
	s17 =	simm.s32 $0xA00;
	s18 =	simm.s32 $0xC00  }
0x7: {  	s19 =	simm.s32 $0x1;
	s20 =	simm.s32 $0x4000;
	s21 =	simm.s32 $0xE00  }
0x8: {  	s22 =	simm.s32 $0x0;
	[smem:$0x7FF] =	sst s2;
	s3 =	sadd.s32 $0x3D400, s1  }
0x9: {  	s5 =	sadd.s32 $0x1EA00, s1;
	s6 =	sadd.s32 $0x99200, s1;
	s7 =	sadd.s32 $0x7A800, s1  }
0xa: {  	s8 =	sand.u32 $0x1, s8;
	s12 =	sshll.u32 s4, $0x7;
	_ =	strace $0x80000047  }
0xb: {  	s11 =	ssub.s32 $0x2, s8;
	s13 =	sshll.u32 s8, $0x6;
	s8 =	sadd.s32 $0x5BE00, s1  }
0xc: {  	s14 =	sshrl.u32 s11, $0x1;
	s12 =	sor.u32 s13, s12;
	s13 =	simm.s32 $0x200  }
0xd: {  	s11 =	ssub.s32 s11, s14;
	s9 =	sadd.s32 s9, s12;
	s10 =	sadd.s32 s10, s12  }
0xe: {  	v0 =	vimm.f32 $1.000000000e+00;
	v1 =	vimm.f32 $0.0e+00;
	s12 =	simm.s32 $0x2;
	s14 =	simm.s32 $0x400;
	s11 =	smax.u32 s11, $0x1  }
.LBB2_1:
0xf: {  	[tilespmem:s2], [sflag:$0x2] =	stream.linear.gather [hbm4b:s9+s2], $0x200, $0x38;
	[tilespmem:$0x2E00] =	vst v63  }
0x10: {  	_ =	swait.ge [sflag:s12], $0x200  }
0x11: {  	[sflag:s12] =	ssyncset.done $0x0  }
0x12: {  	[sflag:s12] =	ssyncadd.s32 $0xFFFFFE00  }
0x13: {  	[tilespmem:s13], [sflag:$0x1] =	stream.indirect.gather [hbm4b:s3+s13], $0x1, s2, s13, $0xb8;
	[tilespmem:$0x2E00] =	vst v63  }
0x14: {  	_ = 	snop  }
0x15: {  	[tilespmem:s14], [sflag:$0x1] =	stream.indirect.gather [hbm4b:s5+s13], $0x1, s2, s13, $0xb8;
	[tilespmem:$0x2E00] =	vst v63  }
0x16: {  	_ = 	snop  }
0x17: {  	[tilespmem:s15], [sflag:$0x1] =	stream.indirect.gather [hbm4b:s1+s13], $0x1, s2, s13, $0xb8;
	[tilespmem:$0x2E00] =	vst v63  }
0x18: {  	_ = 	snop  }
0x19: {  	[tilespmem:s16], [sflag:$0x1] =	stream.indirect.gather [hbm4b:s6+s13], $0x1, s2, s13, $0xb8;
	[tilespmem:$0x2E00] =	vst v63  }
0x1a: {  	_ = 	snop  }
0x1b: {  	[tilespmem:s17], [sflag:$0x1] =	stream.indirect.gather [hbm4b:s7+s13], $0x1, s2, s13, $0xb8;
	[tilespmem:$0x2E00] =	vst v63  }
0x1c: {  	_ = 	snop  }
0x1d: {  	[tilespmem:s18], [sflag:$0x1] =	stream.indirect.gather [hbm4b:s8+s13], $0x1, s2, s13, $0xb8;
	[tilespmem:$0x2E00] =	vst v63  }
0x1e: {  	_ =	swait.ge [sflag:s19], $0x200  }
0x1f: {  	[sflag:s19] =	ssyncset.done $0x0  }
0x20: {  	[sflag:s19] =	ssyncadd.s32 $0xFFFFFE00  }
0x21: {  	_ =	swait.ge [sflag:s19], $0x200  }
0x22: {  	[sflag:s19] =	ssyncset.done $0x0  }
0x23: {  	[sflag:s19] =	ssyncadd.s32 $0xFFFFFE00  }
0x24: {  	_ =	swait.ge [sflag:s19], $0x200  }
0x25: {  	[sflag:s19] =	ssyncset.done $0x0  }
0x26: {  	[sflag:s19] =	ssyncadd.s32 $0xFFFFFE00  }
0x27: {  	_ =	swait.ge [sflag:s19], $0x200  }
0x28: {  	[sflag:s19] =	ssyncset.done $0x0  }
0x29: {  	[sflag:s19] =	ssyncadd.s32 $0xFFFFFE00  }
0x2a: {  	_ =	swait.ge [sflag:s19], $0x200  }
0x2b: {  	[sflag:s19] =	ssyncset.done $0x0  }
0x2c: {  	[sflag:s19] =	ssyncadd.s32 $0xFFFFFE00  }
0x2d: {  	_ =	swait.ge [sflag:s19], $0x200  }
0x2e: {  	[sflag:s19] =	ssyncset.done $0x0  }
0x2f: {  	s25 =	simm.s32 $0x0;
	[sflag:s19] =	ssyncadd.s32 $0xFFFFFE00  }
0x30: {  	v4 =	vld [tilespmem:s25+$0x200]  }
0x31: {  	v5 =	vld [tilespmem:s25+$0x400];
	_ =	sdelay $0x3  }
0x32: {  	v4 =	vadd.f32 v4, v4  }
0x33: {  	v5 =	vadd.f32 v5, v5  }
0x34: {  	v4 =	vmul.f32 $1.442695020e+00, v4  }
0x35: {  	v5 =	vmul.f32 $1.442695020e+00, v5  }
0x36: {  	(erf) = vpow2.f32 v4  }
0x37: {  	(erf) = vpow2.f32 v5;
	_ =	sdelay $0x3  }
0x38: {  	v3 =	vld [tilespmem:s25+$0x600];
	_ =	sdelay $0x3  }
0x39: {  	[tilespmem:s25+$0x2600] =	vst v1;
	v7 =	vpop (erf)  }
0x3a: {  	[tilespmem:s25+$0x2800] =	vst v1;
	v3 =	vadd.f32 v3, v3;
	v7 =	vadd.f32 $1.000000000e+00, v7;
	v8 =	vpop (erf)  }
0x3b: {  	[tilespmem:s25+$0x2A00] =	vst v1;
	v4 =	vld [tilespmem:s25+$0xA00];
	v8 =	vadd.f32 $1.000000000e+00, v8  }
0x3c: {  	s24 =	simm.s32 $0x10;
	[tilespmem:s25+$0x2C00] =	vst v0;
	v3 =	vmul.f32 $1.442695020e+00, v3;
	v5 =	vld [tilespmem:s25+$0xC00];
	(erf) = vrcp.f32 v7  }
0x3d: {  	v7 =	vld [tilespmem:s24+$0x200];
	(erf) = vrcp.f32 v8  }
0x3e: {  	(erf) = vpow2.f32 v3;
	v3 =	vld [tilespmem:s24+$0x400];
	_ =	sdelay $0x1  }
0x3f: {  	v4 =	vadd.f32 v4, v4  }
0x40: {  	v5 =	vadd.f32 v5, v5  }
0x41: {  	v2 =	vld [tilespmem:s25+$0x800];
	v4 =	vmul.f32 $1.442695020e+00, v4;
	v7 =	vadd.f32 v7, v7  }
0x42: {  	v5 =	vmul.f32 $1.442695020e+00, v5;
	v3 =	vadd.f32 v3, v3  }
0x43: {  	(erf) = vpow2.f32 v4;
	v4 =	vmul.f32 $1.442695020e+00, v7  }
0x44: {  	(erf) = vpow2.f32 v5;
	v3 =	vmul.f32 $1.442695020e+00, v3  }
0x45: {  	v7 =	vpop (erf);
	(erf) = vpow2.f32 v4  }
0x46: {  	v2 =	vadd.f32 v2, v2;
	v5 =	vpop (erf);
	(erf) = vpow2.f32 v3  }
0x47: {  	v4 =	vpop (erf)  }
0x48: {  	v2 =	vmul.f32 $1.442695020e+00, v2;
	v3 =	vadd.f32 $1.000000000e+00, v4;
	_ =	sdelay $0x1  }
0x49: {  	(erf) = vpow2.f32 v2  }
0x4a: {  	(erf) = vrcp.f32 v3  }
0x4b: {  	v3 =	vpop (erf)  }
0x4c: {  	v8 =	vpop (erf)  }
0x4d: {  	v9 =	vld [tilespmem:s24+$0x600];
	v10 =	vpop (erf)  }
0x4e: {  	v12 =	vpop (erf)  }
0x4f: {  	[tilespmem:s24+$0x2600] =	vst v1;
	v2 =	vld [tilespmem:s24+$0xA00];
	v12 =	vadd.f32 $1.000000000e+00, v12  }
0x50: {  	[tilespmem:s24+$0x2800] =	vst v1;
	v4 =	vld [tilespmem:s24+$0xC00];
	v10 =	vadd.f32 $1.000000000e+00, v10  }
0x51: {  	[tilespmem:s24+$0x2A00] =	vst v1;
	v7 =	vadd.f32 v7, v7  }
0x52: {  	s23 =	simm.s32 $0x20;
	v9 =	vadd.f32 v9, v9;
	[tilespmem:s24+$0x2C00] =	vst v0;
	v5 =	vadd.f32 v5, v5;
	v13 =	vpop (erf);
	(erf) = vrcp.f32 v10  }
0x53: {  	v7 =	vsub.f32 $1.000000000e+00, v7;
	v10 =	vadd.f32 $1.000000000e+00, v13;
	v13 =	vld [tilespmem:s23+$0x200];
	(erf) = vrcp.f32 v12;
	v12 =	vpop (erf)  }
0x54: {  	v9 =	vmul.f32 $1.442695020e+00, v9;
	v8 =	vadd.f32 $1.000000000e+00, v8;
	v12 =	vadd.f32 v12, v12  }
0x55: {  	v4 =	vadd.f32 v4, v4;
	v2 =	vadd.f32 v2, v2;
	(erf) = vrcp.f32 v10  }
0x56: {  	v7 =	vmul.f32 $3.490658480e-03, v7;
	(erf) = vrcp.f32 v8;
	v8 =	vld [tilespmem:s23+$0x400];
	v10 =	vsub.f32 $1.000000000e+00, v12  }
0x57: {  	v6 =	vld [tilespmem:s24+$0x800];
	v5 =	vsub.f32 $1.000000000e+00, v5;
	v4 =	vmul.f32 $1.442695020e+00, v4;
	v2 =	vmul.f32 $1.442695020e+00, v2  }
0x58: {  	(erf) = vpow2.f32 v9;
	v9 =	vmul.f32 $3.490658480e-03, v10;
	v10 =	vadd.f32 v13, v13  }
0x59: {  	v5 =	vmul.f32 $3.490658480e-03, v5;
	v3 =	vadd.f32 $1.000000000e+00, v3;
	(erf) = vpow2.f32 v2  }
0x5a: {  	(erf) = vpow2.f32 v4;
	v4 =	vmul.f32 $1.442695020e+00, v10  }
0x5b: {  	v12 =	vmul.f32 v7, v7;
	v2 =	vadd.f32 v8, v8;
	v8 =	vmul.f32 v5, v5  }
0x5c: {  	v6 =	vadd.f32 v6, v6;
	v14 =	vld [tilespmem:s23+$0x600]  }
0x5d: {  	(erf) = vrcp.f32 v3;
	v3 =	vpop (erf);
	v8 =	vadd.f32 v8, v12;
	v12 =	vmul.f32 v9, v9  }
0x5e: {  	v15 =	vld [tilespmem:s23+$0xC00];
	v2 =	vmul.f32 $1.442695020e+00, v2;
	(erf) = vpow2.f32 v4;
	v4 =	vpop (erf)  }
0x5f: {  	v11 =	vld [tilespmem:s23+$0x800];
	v10 =	vpop (erf)  }
0x60: {  	(erf) = vpow2.f32 v2;
	v2 =	vadd.f32 v3, v3;
	v3 =	vmul.f32 $1.442695020e+00, v6;
	v6 =	vpop (erf)  }
0x61: {  	v14 =	vadd.f32 v14, v14;
	v8 =	vadd.f32 v12, v8;
	v12 =	vpop (erf)  }
0x62: {  	v13 =	vld [tilespmem:s23+$0xA00];
	v16 =	vsub.f32 $1.000000000e+00, v2;
	v2 =	vadd.f32 $1.000000000e+00, v12  }
0x63: {  	v15 =	vadd.f32 v15, v15  }
0x64: {  	v11 =	vadd.f32 v11, v11;
	v17 =	vmul.f32 $2.604166800e-04, v8;
	(erf) = vpow2.f32 v3  }
0x65: {  	v15 =	vmul.f32 $1.442695020e+00, v15;
	v3 =	vmul.f32 $1.442695020e+00, v14;
	v14 =	vpop (erf)  }
0x66: {  	v11 =	vmul.f32 $1.442695020e+00, v11;
	(erf) = vrcp.f32 v2;
	v2 =	vpop (erf)  }
0x67: {  	v13 =	vadd.f32 v13, v13;
	v18 =	vmul.f32 $-2.083333400e-02, v8;
	v4 =	vadd.f32 v4, v4;
	v19 =	vpop (erf)  }
0x68: {  	v10 =	vadd.f32 v10, v10;
	v12 =	vmul.f32 $2.500000000e-01, v8;
	v8 =	vmul.f32 v17, v8;
	v17 =	vpop (erf)  }
0x69: {  	v13 =	vmul.f32 $1.442695020e+00, v13;
	v18 =	vadd.f32 $5.000000000e-01, v18;
	v17 =	vadd.f32 $1.000000000e+00, v17  }
0x6a: {  	v6 =	vadd.f32 v6, v6;
	v10 =	vsub.f32 $1.000000000e+00, v10;
	v21 =	vmul.f32 $4.166666790e-02, v12  }
0x6b: {  	v20 =	vmul.f32 $5.000000000e-01, v12;
	v8 =	vadd.f32 v8, v18;
	(erf) = vrcp.f32 v17  }
0x6c: {  	v6 =	vsub.f32 $1.000000000e+00, v6;
	v16 =	vmul.f32 $3.490658480e-03, v16;
	v12 =	vmul.f32 v21, v12;
	v22 =	vpop (erf)  }
0x6d: {  	v7 =	vmul.f32 v8, v7;
	v22 =	vadd.f32 $1.000000000e+00, v22;
	v18 =	vpop (erf);
	v17 =	vsub.f32 $1.000000000e+00, v20  }
0x6e: {  	v5 =	vmul.f32 v8, v5;
	v19 =	vadd.f32 v19, v19;
	v18 =	vadd.f32 $1.000000000e+00, v18  }
0x6f: {  	[tilespmem:s23+$0x2600] =	vst v1;
	v8 =	vmul.f32 v8, v9;
	(erf) = vrcp.f32 v22;
	v9 =	vadd.f32 v12, v17  }
0x70: {  	[tilespmem:s23+$0x2800] =	vst v1;
	v6 =	vmul.f32 $5.000000070e-02, v6;
	v19 =	vsub.f32 $1.000000000e+00, v19;
	(erf) = vrcp.f32 v18  }
0x71: {  	[tilespmem:s23+$0x2A00] =	vst v1;
	v2 =	vadd.f32 $1.000000000e+00, v2;
	v20 =	vpop (erf);
	v18 =	vmul.f32 v7, v7;
	v17 =	vmul.f32 v9, v9  }
0x72: {  	[tilespmem:s23+$0x2C00] =	vst v0;
	v21 =	vmul.f32 v8, v7;
	v19 =	vmul.f32 $5.000000070e-02, v19;
	v12 =	vadd.f32 v20, v20  }
0x73: {  	[tilespmem:s25+$0x2400] =	vst v6;
	v20 =	vmul.f32 v5, v5;
	(erf) = vrcp.f32 v2;
	v2 =	vadd.f32 v18, v17  }
0x74: {  	v6 =	vmul.f32 v8, v8;
	[tilespmem:s25+$0x1C00] =	vst v19;
	v23 =	vmul.f32 v9, v8;
	v19 =	vsub.f32 $1.000000000e+00, v12;
	v22 =	vpop (erf)  }
0x75: {  	s26 =	simm.s32 $0x30;
	v12 =	vmul.f32 $5.000000070e-02, v10;
	v24 =	vadd.f32 v2, v20;
	v10 =	vadd.f32 v22, v22  }
0x76: {  	v4 =	vsub.f32 $1.000000000e+00, v4;
	v8 =	vmul.f32 v8, v5;
	(erf) = vpow2.f32 v3;
	v3 =	vld [tilespmem:s26+$0x200]  }
0x77: {  	v25 =	vmul.f32 v9, v7;
	v17 =	vld [tilespmem:s26+$0x800];
	v2 =	vsub.f32 $1.000000000e+00, v10;
	v10 =	vadd.f32 v24, v6  }
0x78: {  	v14 =	vadd.f32 $1.000000000e+00, v14;
	v9 =	vmul.f32 v9, v5;
	v22 =	vld [tilespmem:s26+$0x600];
	v24 =	vmul.f32 $3.490658480e-03, v4  }
0x79: {  	v26 =	vadd.f32 v6, v18;
	v19 =	vmul.f32 $3.490658480e-03, v19;
	v4 =	vld [tilespmem:s26+$0x400];
	(erf) = vrcp.f32 v10  }
0x7a: {  	v18 =	vadd.f32 v20, v18;
	v10 =	vmul.f32 v16, v16;
	v27 =	vmul.f32 v24, v24  }
0x7b: {  	v5 =	vmul.f32 v5, v7;
	v20 =	vadd.f32 v6, v20;
	v3 =	vadd.f32 v3, v3  }
0x7c: {  	v29 =	vld [tilespmem:s26+$0xC00];
	(erf) = vpow2.f32 v13;
	v7 =	vadd.f32 v27, v10;
	v10 =	vmul.f32 v19, v19  }
0x7d: {  	v28 =	vadd.f32 v17, v17;
	v6 =	vadd.f32 v22, v22;
	(erf) = vpow2.f32 v15  }
0x7e: {  	v22 =	vpop (erf);
	v13 =	vadd.f32 v4, v4;
	v7 =	vadd.f32 v10, v7;
	v10 =	vmul.f32 $1.442695020e+00, v3  }
0x7f: {  	v15 =	vadd.f32 v25, v8;
	v17 =	vpop (erf);
	v8 =	vsub.f32 v8, v25;
	(erf) = vrcp.f32 v14  }
0x80: {  	v4 =	vmul.f32 $1.442695020e+00, v6;
	v6 =	vadd.f32 v17, v17;
	v13 =	vmul.f32 $1.442695020e+00, v13  }
0x81: {  	v25 =	vadd.f32 v29, v29;
	v14 =	vpop (erf);
	v3 =	vsub.f32 v21, v9;
	(erf) = vpow2.f32 v10  }
0x82: {  	v17 =	vld [tilespmem:s26+$0xA00];
	v21 =	vadd.f32 v9, v21;
	v30 =	vsub.f32 $1.000000000e+00, v6;
	(erf) = vpow2.f32 v13;
	v10 =	vpop (erf)  }
0x83: {  	v27 =	vmul.f32 $2.500000000e-01, v7;
	v13 =	vmul.f32 $-2.083333400e-02, v7;
	v9 =	vadd.f32 $1.000000000e+00, v10  }
0x84: {  	(erf) = vpow2.f32 v11;
	v11 =	vsub.f32 v5, v23;
	v6 =	vpop (erf);
	v10 =	vmul.f32 $2.604166800e-04, v7  }
0x85: {  	v31 =	vmul.f32 $4.166666790e-02, v27;
	v6 =	vadd.f32 v6, v6;
	(erf) = vrcp.f32 v9  }
0x86: {  	v5 =	vadd.f32 v23, v5;
	v7 =	vmul.f32 v10, v7;
	v10 =	vmul.f32 $5.000000000e-01, v27  }
0x87: {  	v23 =	vpop (erf);
	v9 =	vadd.f32 v17, v17;
	v27 =	vmul.f32 v31, v27;
	v17 =	vmul.f32 v6, v20  }
0x88: {  	v13 =	vadd.f32 $5.000000000e-01, v13;
	v20 =	vmul.f32 v6, v26;
	v26 =	vpop (erf);
	v18 =	vmul.f32 v6, v18  }
0x89: {  	[tilespmem:s26+$0x2600] =	vst v1;
	v11 =	vmul.f32 v6, v11;
	v21 =	vmul.f32 v6, v21;
	v60 =	vpop (erf);
	v33 =	vsub.f32 $1.000000000e+00, v10  }
0x8a: {  	[tilespmem:s26+$0x2800] =	vst v1;
	v8 =	vmul.f32 v6, v8;
	v20 =	vsub.f32 $1.000000000e+00, v20;
	v29 =	vadd.f32 v60, v60;
	v32 =	vpop (erf)  }
0x8b: {  	[tilespmem:s26+$0x2A00] =	vst v1;
	v15 =	vmul.f32 v6, v15;
	v17 =	vsub.f32 $1.000000000e+00, v17;
	v32 =	vadd.f32 $1.000000000e+00, v32;
	v61 =	vpop (erf)  }
0x8c: {  	[tilespmem:s26+$0x2C00] =	vst v0;
	v10 =	vmul.f32 $1.442695020e+00, v25;
	v25 =	vsub.f32 $1.000000000e+00, v29;
	v62 =	vadd.f32 $1.000000000e+00, v61  }
0x8d: {  	v7 =	vadd.f32 v7, v13;
	[tilespmem:s25+$0x1800] =	vst v20;
	v20 =	vadd.f32 v14, v14;
	v13 =	vpop (erf);
	(erf) = vrcp.f32 v32  }
0x8e: {  	[tilespmem:s25+$0xE00] =	vst v17;
	v17 =	vmul.f32 $5.000000070e-02, v25;
	v25 =	vadd.f32 $1.000000000e+00, v13;
	(erf) = vrcp.f32 v62  }
0x8f: {  	v18 =	vsub.f32 $1.000000000e+00, v18;
	[tilespmem:s25+$0x1200] =	vst v21;
	v63 =	vmul.f32 v7, v19;
	v21 =	vadd.f32 v27, v33  }
0x90: {  	[tilespmem:s25+$0x1000] =	vst v11;
	v13 =	vmul.f32 v7, v16;
	v16 =	vsub.f32 $1.000000000e+00, v20;
	(erf) = vrcp.f32 v25  }
0x91: {  	v14 =	vmul.f32 v7, v24;
	[tilespmem:s25+$0x2200] =	vst v18;
	v24 =	vmul.f32 v6, v5  }
0x92: {  	v19 =	vmul.f32 v21, v21;
	v7 =	vadd.f32 $1.000000000e+00, v26;
	v11 =	vmul.f32 $5.000000070e-02, v16;
	[tilespmem:s24+$0x1C00] =	vst v17  }
0x93: {  	v18 =	vpop (erf);
	v20 =	vmul.f32 v13, v13;
	v5 =	vmul.f32 v63, v13;
	v25 =	vadd.f32 v22, v22;
	[tilespmem:s25+$0x1A00] =	vst v8  }
0x94: {  	v22 =	vmul.f32 $1.442695020e+00, v28;
	v16 =	vadd.f32 v18, v18;
	v18 =	vmul.f32 v14, v14;
	[tilespmem:s25+$0x1600] =	vst v24  }
0x95: {  	v17 =	vadd.f32 $1.000000000e+00, v23;
	(erf) = vrcp.f32 v7;
	v7 =	vmul.f32 v21, v63;
	[tilespmem:s24+$0x2400] =	vst v11  }
0x96: {  	v26 =	vadd.f32 v20, v19;
	v19 =	vmul.f32 v63, v63;
	v11 =	vmul.f32 $5.000000070e-02, v30;
	[tilespmem:s25+$0x2000] =	vst v15;
	v8 =	vpop (erf)  }
0x97: {  	s28 =	simm.s32 $0x100;
	v23 =	vsub.f32 $1.000000000e+00, v16;
	v15 =	vmul.f32 v63, v14;
	[tilespmem:s25+$0x1400] =	vst v12;
	v24 =	vadd.f32 v8, v8;
	v8 =	vpop (erf)  }
.LBB2_2:
0x98: {  	s29 =	sshra.s32 s28, $0x2;
	p0 =	sne.s32 s28, $0x7C0;
	s28 =	sadd.s32 $0x40, s28;
	v16 =	vsub.f32 $1.000000000e+00, v25;
	v25 =	vadd.f32 v26, v18;
	v26 =	vmul.f32 v21, v13;
	v12 =	vmovc v11  }
0x99: {  	v21 =	vmul.f32 v21, v14;
	v11 =	vld [tilespmem:s29+$0x800];
	[tilespmem:s29+$0x2600] =	vst v1;
	v24 =	vsub.f32 $1.000000000e+00, v24;
	(erf) = vpow2.f32 v4;
	v27 =	vpop (erf)  }
0x9a: {  	v23 =	vmul.f32 $3.490658480e-03, v23;
	v3 =	vmul.f32 v6, v3;
	v4 =	vld [tilespmem:s29+$0x600];
	[tilespmem:s29+$0x2800] =	vst v1;
	v25 =	vadd.f32 v25, v19  }
0x9b: {  	v28 =	vmul.f32 $3.490658480e-03, v2;
	v30 =	vadd.f32 v19, v20;
	v29 =	vmul.f32 $3.490658480e-03, v16;
	v6 =	vld [tilespmem:s29+$0x200];
	[tilespmem:s29+$0x2A00] =	vst v1;
	v2 =	vmovc v24  }
0x9c: {  	v9 =	vmul.f32 $1.442695020e+00, v9;
	v20 =	vadd.f32 v18, v20;
	v24 =	vld [tilespmem:s29+$0x400];
	(erf) = vrcp.f32 v25;
	[tilespmem:s25+$0x1E00] =	vst v3;
	s25 =	smov.u32 s24;
	s24 =	smov.u32 s23;
	s23 =	smov.u32 s26  }
0x9d: {  	v18 =	vadd.f32 v19, v18;
	v3 =	vmul.f32 v28, v28;
	v25 =	vmul.f32 v29, v29;
	s26 =	smov.u32 s29;
	[tilespmem:s29+$0x2C00] =	vst v0  }
0x9e: {  	v16 =	vadd.f32 v11, v11;
	(erf) = vpow2.f32 v9;
	v11 =	vpop (erf);
	v9 =	vmul.f32 v14, v13  }
0x9f: {  	v3 =	vadd.f32 v25, v3;
	v13 =	vmul.f32 v23, v23;
	v4 =	vadd.f32 v4, v4  }
0xa0: {  	v19 =	vadd.f32 v26, v15;
	v6 =	vadd.f32 v6, v6;
	(erf) = vpow2.f32 v10  }
0xa1: {  	v13 =	vadd.f32 v13, v3;
	v10 =	vadd.f32 v24, v24;
	v4 =	vmul.f32 $1.442695020e+00, v4  }
0xa2: {  	v24 =	vadd.f32 v27, v27;
	v31 =	vmul.f32 $1.442695020e+00, v6;
	v14 =	vpop (erf);
	(erf) = vrcp.f32 v17  }
0xa3: {  	v3 =	vsub.f32 v5, v21;
	v25 =	vmul.f32 $2.500000000e-01, v13;
	v17 =	vld [tilespmem:s26+$0xA00];
	v10 =	vmul.f32 $1.442695020e+00, v10  }
0xa4: {  	v15 =	vsub.f32 v15, v26;
	v5 =	vadd.f32 v21, v5;
	v27 =	vld [tilespmem:s26+$0xC00];
	(erf) = vpow2.f32 v31  }
0xa5: {  	v24 =	vsub.f32 $1.000000000e+00, v24;
	(erf) = vpow2.f32 v10;
	v10 =	vmul.f32 $-2.083333400e-02, v13;
	v6 =	vpop (erf)  }
0xa6: {  	v21 =	vmul.f32 $2.604166800e-04, v13;
	v14 =	vadd.f32 $1.000000000e+00, v14;
	v6 =	vadd.f32 v6, v6  }
0xa7: {  	v26 =	vsub.f32 v9, v7;
	v7 =	vadd.f32 v7, v9;
	(erf) = vpow2.f32 v22;
	v22 =	vpop (erf)  }
0xa8: {  	v9 =	vadd.f32 v17, v17;
	(erf) = vrcp.f32 v14;
	v14 =	vmul.f32 v6, v18  }
0xa9: {  	v13 =	vmul.f32 v21, v13;
	v21 =	vmul.f32 v6, v30;
	v17 =	vadd.f32 v27, v27;
	v18 =	vpop (erf)  }
0xaa: {  	v20 =	vmul.f32 v6, v20;
	v27 =	vadd.f32 $1.000000000e+00, v18;
	v18 =	vmul.f32 $5.000000000e-01, v25  }
0xab: {  	v31 =	vadd.f32 $5.000000000e-01, v10;
	v30 =	vmul.f32 $4.166666790e-02, v25;
	v21 =	vsub.f32 $1.000000000e+00, v21;
	v10 =	vpop (erf)  }
0xac: {  	v26 =	vmul.f32 v6, v26;
	v14 =	vsub.f32 $1.000000000e+00, v14;
	v32 =	vadd.f32 v10, v10  }
0xad: {  	v33 =	vmul.f32 v6, v5;
	v20 =	vsub.f32 $1.000000000e+00, v20;
	v18 =	vsub.f32 $1.000000000e+00, v18;
	v10 =	vpop (erf);
	[tilespmem:s25+$0x1800] =	vst v21  }
0xae: {  	v21 =	vadd.f32 $1.000000000e+00, v10;
	v10 =	vmul.f32 $1.442695020e+00, v17;
	v17 =	vpop (erf);
	v32 =	vsub.f32 $1.000000000e+00, v32;
	[tilespmem:s25+$0xE00] =	vst v14  }
0xaf: {  	v14 =	vadd.f32 $1.000000000e+00, v17;
	v17 =	vmul.f32 v30, v25;
	v25 =	vadd.f32 v13, v31;
	[tilespmem:s25+$0x1200] =	vst v33  }
0xb0: {  	v11 =	vadd.f32 v11, v11;
	(erf) = vrcp.f32 v21;
	v5 =	vpop (erf);
	v21 =	vmul.f32 $5.000000070e-02, v32;
	[tilespmem:s25+$0x2200] =	vst v20  }
0xb1: {  	(erf) = vrcp.f32 v14;
	v5 =	vadd.f32 $1.000000000e+00, v5;
	v20 =	vpop (erf);
	v13 =	vmul.f32 v25, v28;
	[tilespmem:s25+$0x1000] =	vst v26  }
0xb2: {  	v11 =	vsub.f32 $1.000000000e+00, v11;
	v14 =	vmul.f32 v25, v29;
	v28 =	vmul.f32 v25, v23;
	[tilespmem:s24+$0x1C00] =	vst v21  }
0xb3: {  	v20 =	vadd.f32 v20, v20;
	v21 =	vadd.f32 v17, v18;
	(erf) = vrcp.f32 v5  }
0xb4: {  	v11 =	vmul.f32 $5.000000070e-02, v11;
	v17 =	vadd.f32 $1.000000000e+00, v22;
	v5 =	vmul.f32 v6, v15  }
0xb5: {  	v7 =	vmul.f32 v6, v7;
	v23 =	vsub.f32 $1.000000000e+00, v20;
	v15 =	vmul.f32 v21, v21  }
.Ltmp0:
0xb6: {  	v22 =	vmul.f32 v6, v19;
	v20 =	vmul.f32 v13, v13;
	[tilespmem:s25+$0x1A00] =	vst v5;
	(pc) =	sbr.rel @p0 .LBB2_2-.Ltmp0, $4  }
0xb7: {  	v18 =	vmul.f32 v14, v14;
	v5 =	vmul.f32 v28, v13;
	[tilespmem:s25+$0x1600] =	vst v7  }
0xb8: {  	v19 =	vmul.f32 v28, v28;
	v26 =	vadd.f32 v20, v15;
	(erf) = vrcp.f32 v27;
	[tilespmem:s24+$0x2400] =	vst v11  }
0xb9: {  	v25 =	vadd.f32 v8, v8;
	v7 =	vmul.f32 v21, v28;
	v11 =	vmul.f32 $5.000000070e-02, v24;
	v15 =	vpop (erf);
	[tilespmem:s25+$0x2000] =	vst v22  }
0xba: {  	v22 =	vmul.f32 $1.442695020e+00, v16;
	v24 =	vadd.f32 v15, v15;
	v8 =	vpop (erf);
	v15 =	vmul.f32 v28, v14;
	[tilespmem:s25+$0x1400] =	vst v12  }
0xbb: {  	(erf) = vpow2.f32 v4;
	_ =	sdelay $0x1  }
0xbc: {  	v43 =	vadd.f32 v26, v18;
	_ =	sdelay $0x1  }
0xbd: {  	v4 =	vadd.f32 v43, v19;
	_ =	sdelay $0x1  }
0xbe: {  	v9 =	vmul.f32 $1.442695020e+00, v9;
	v2 =	vmul.f32 $3.490658480e-03, v2  }
0xbf: {  	v45 =	vsub.f32 $1.000000000e+00, v25;
	v47 =	vmul.f32 $3.490658480e-03, v23;
	v12 =	vpop (erf);
	(erf) = vrcp.f32 v4  }
0xc0: {  	v52 =	vmul.f32 v21, v13;
	(erf) = vpow2.f32 v9;
	v4 =	vpop (erf)  }
0xc1: {  	v46 =	vmul.f32 $3.490658480e-03, v45;
	(erf) = vpow2.f32 v10;
	v44 =	vpop (erf)  }
0xc2: {  	v16 =	vmul.f32 v2, v2;
	(erf) = vrcp.f32 v17;
	v9 =	vadd.f32 $1.000000000e+00, v44  }
0xc3: {  	v8 =	vadd.f32 v8, v8;
	v48 =	vmul.f32 v46, v46;
	(erf) = vpow2.f32 v22  }
0xc4: {  	v21 =	vmul.f32 v21, v14;
	v24 =	vsub.f32 $1.000000000e+00, v24;
	(erf) = vrcp.f32 v9  }
0xc5: {  	v51 =	vmul.f32 v47, v47;
	v8 =	vsub.f32 $1.000000000e+00, v8;
	v16 =	vadd.f32 v48, v16  }
0xc6: {  	v55 =	vadd.f32 v19, v20;
	v56 =	vadd.f32 v18, v20;
	v61 =	vmul.f32 $3.490658480e-03, v24  }
0xc7: {  	v57 =	vmul.f32 v14, v13;
	v8 =	vmul.f32 $3.490658480e-03, v8;
	v16 =	vadd.f32 v51, v16  }
0xc8: {  	v60 =	vadd.f32 v19, v18;
	v40 =	vadd.f32 v52, v15;
	v34 =	vmul.f32 v61, v61;
	v49 =	vpop (erf)  }
0xc9: {  	v35 =	vmul.f32 v8, v8;
	v48 =	vsub.f32 v57, v7;
	v28 =	vmul.f32 $2.500000000e-01, v16;
	v50 =	vpop (erf)  }
0xca: {  	v4 =	vadd.f32 v4, v4;
	v29 =	vmul.f32 $2.604166800e-04, v16;
	v58 =	vmul.f32 $-2.083333400e-02, v16;
	v53 =	vpop (erf)  }
0xcb: {  	v36 =	vadd.f32 v35, v34;
	v59 =	vmul.f32 $5.000000000e-01, v28;
	v31 =	vmul.f32 $4.166666790e-02, v28;
	v54 =	vpop (erf)  }
0xcc: {  	v4 =	vsub.f32 $1.000000000e+00, v4;
	v16 =	vmul.f32 v29, v16;
	v14 =	vadd.f32 $5.000000000e-01, v58;
	v27 =	vpop (erf)  }
0xcd: {  	v44 =	vsub.f32 v15, v52;
	v62 =	vmul.f32 v31, v28;
	v33 =	vsub.f32 $1.000000000e+00, v59;
	v30 =	vpop (erf)  }
0xce: {  	v3 =	vmul.f32 v6, v3;
	v14 =	vadd.f32 v16, v14;
	v30 =	vadd.f32 v30, v30  }
0xcf: {  	v4 =	vmul.f32 $5.000000070e-02, v4;
	v58 =	vsub.f32 v5, v21;
	v24 =	vadd.f32 v62, v33  }
0xd0: {  	v2 =	vmul.f32 v14, v2;
	v9 =	vmul.f32 v14, v46;
	v30 =	vsub.f32 $1.000000000e+00, v30  }
0xd1: {  	v22 =	vadd.f32 v49, v49;
	v10 =	vmul.f32 v14, v47;
	v38 =	vmul.f32 v24, v24  }
0xd2: {  	v23 =	vadd.f32 $1.000000000e+00, v50;
	v39 =	vmul.f32 v2, v2;
	v63 =	vmul.f32 $3.490658480e-03, v30  }
0xd3: {  	v26 =	vadd.f32 $1.000000000e+00, v53;
	v6 =	vmul.f32 v22, v55;
	v18 =	vmul.f32 v22, v60  }
0xd4: {  	v41 =	vmul.f32 v9, v9;
	v14 =	vadd.f32 v39, v38;
	v37 =	vmul.f32 v63, v63  }
0xd5: {  	v20 =	vmul.f32 v22, v56;
	v59 =	vmul.f32 v22, v40;
	v27 =	vadd.f32 $1.000000000e+00, v27  }
0xd6: {  	v42 =	vmul.f32 v10, v10;
	v14 =	vadd.f32 v14, v41;
	v28 =	vadd.f32 v37, v36  }
0xd7: {  	v47 =	vadd.f32 v21, v5;
	v5 =	vmul.f32 v22, v58;
	(erf) = vrcp.f32 v27  }
0xd8: {  	(erf) = vrcp.f32 v26;
	v14 =	vadd.f32 v14, v42;
	v43 =	vmul.f32 $2.500000000e-01, v28  }
0xd9: {  	v6 =	vsub.f32 $1.000000000e+00, v6;
	v45 =	vmul.f32 $-2.083333400e-02, v28;
	v32 =	vmul.f32 $2.604166800e-04, v28  }
0xda: {  	v18 =	vsub.f32 $1.000000000e+00, v18;
	(erf) = vrcp.f32 v14;
	v33 =	vmul.f32 $5.000000000e-01, v43  }
0xdb: {  	v34 =	vmul.f32 $4.166666790e-02, v43;
	v28 =	vmul.f32 v32, v28;
	v25 =	vadd.f32 $5.000000000e-01, v45  }
0xdc: {  	[tilespmem:s25+$0x1E00] =	vst v3;
	v3 =	vsub.f32 $1.000000000e+00, v20;
	v50 =	vmul.f32 v22, v47;
	v62 =	vmul.f32 v24, v10  }
0xdd: {  	v31 =	vmul.f32 v34, v43;
	v46 =	vsub.f32 $1.000000000e+00, v33;
	v25 =	vadd.f32 v28, v25  }
0xde: {  	v17 =	vadd.f32 v54, v54;
	v54 =	vadd.f32 v7, v57;
	[tilespmem:s24+$0x2200] =	vst v3;
	v3 =	vmul.f32 v22, v44  }
0xdf: {  	(erf) = vrcp.f32 v23;
	v28 =	vadd.f32 v31, v46;
	v19 =	vmul.f32 v25, v61  }
0xe0: {  	[tilespmem:s24+$0x1800] =	vst v6;
	v51 =	vsub.f32 $1.000000000e+00, v17;
	v31 =	vmul.f32 v22, v48;
	v8 =	vmul.f32 v25, v8  }
0xe1: {  	[tilespmem:s24+$0xE00] =	vst v18;
	v49 =	vmul.f32 v28, v28;
	v23 =	vmul.f32 v19, v19  }
0xe2: {  	[tilespmem:s24+$0x1200] =	vst v50;
	v29 =	vadd.f32 v42, v39;
	v7 =	vmul.f32 v22, v54;
	v55 =	vmul.f32 $5.000000070e-02, v51;
	v13 =	vpop (erf)  }
0xe3: {  	v60 =	vpop (erf);
	v16 =	vmul.f32 v25, v63;
	v52 =	vmul.f32 v8, v8;
	[tilespmem:s24+$0x1000] =	vst v31;
	v53 =	vadd.f32 v23, v49  }
0xe4: {  	v35 =	vadd.f32 v41, v39;
	v34 =	vmul.f32 v24, v9;
	v61 =	vmul.f32 v10, v2;
	v63 =	vpop (erf);
	[tilespmem:s23+$0x1C00] =	vst v55  }
0xe5: {  	v25 =	vadd.f32 v63, v63;
	v56 =	vmul.f32 v16, v16;
	[tilespmem:s24+$0x1A00] =	vst v3;
	v57 =	vadd.f32 v53, v52  }
0xe6: {  	v40 =	vadd.f32 v60, v60;
	v31 =	vmul.f32 v24, v2;
	v2 =	vmul.f32 v9, v2;
	[tilespmem:s24+$0x1600] =	vst v7  }
0xe7: {  	v36 =	vadd.f32 v34, v61;
	v38 =	vmul.f32 v25, v35;
	[tilespmem:s23+$0x2400] =	vst v4;
	v15 =	vadd.f32 v57, v56  }
0xe8: {  	v32 =	vadd.f32 v42, v41;
	v3 =	vmul.f32 v10, v9;
	v10 =	vmul.f32 v25, v29;
	[tilespmem:s24+$0x2000] =	vst v59  }
0xe9: {  	v37 =	vpop (erf);
	v39 =	vsub.f32 v2, v62;
	v9 =	vmul.f32 v25, v36;
	[tilespmem:s24+$0x1400] =	vst v11;
	(erf) = vrcp.f32 v15  }
0xea: {  	v10 =	vsub.f32 $1.000000000e+00, v10;
	[tilespmem:s24+$0x1E00] =	vst v5;
	v11 =	vadd.f32 v37, v37  }
0xeb: {  	v12 =	vadd.f32 v12, v12;
	v5 =	vsub.f32 $1.000000000e+00, v38;
	[tilespmem:s23+$0x1200] =	vst v9;
	v15 =	vmul.f32 v25, v32  }
0xec: {  	v42 =	vsub.f32 $1.000000000e+00, v40;
	v18 =	vmul.f32 v25, v39;
	[tilespmem:s23+$0x1800] =	vst v10;
	v11 =	vsub.f32 $1.000000000e+00, v11  }
0xed: {  	v41 =	vsub.f32 v3, v31;
	[tilespmem:s23+$0x2200] =	vst v5;
	v15 =	vsub.f32 $1.000000000e+00, v15  }
0xee: {  	v44 =	vmul.f32 $5.000000070e-02, v42;
	v2 =	vadd.f32 v62, v2;
	[tilespmem:s23+$0x1000] =	vst v18;
	v43 =	vmul.f32 $5.000000070e-02, v11  }
0xef: {  	v33 =	vsub.f32 $1.000000000e+00, v12;
	v47 =	vmul.f32 v16, v19;
	v45 =	vmul.f32 v25, v41;
	[tilespmem:s23+$0xE00] =	vst v15  }
0xf0: {  	v51 =	vmul.f32 v28, v8;
	v3 =	vadd.f32 v31, v3;
	v2 =	vmul.f32 v25, v2;
	[tilespmem:s26+$0x1C00] =	vst v43  }
0xf1: {  	v6 =	vsub.f32 v61, v34;
	v55 =	vmul.f32 v28, v19;
	v53 =	vmul.f32 v8, v19;
	[tilespmem:s23+$0x1A00] =	vst v45  }
0xf2: {  	v48 =	vadd.f32 v56, v23;
	v3 =	vmul.f32 v25, v3;
	[tilespmem:s23+$0x1600] =	vst v2;
	v2 =	vmul.f32 v28, v16;
	v46 =	vpop (erf)  }
0xf3: {  	v54 =	vadd.f32 v51, v47;
	v4 =	vmul.f32 $5.000000070e-02, v33;
	[tilespmem:s26+$0x2400] =	vst v44;
	v7 =	vadd.f32 v46, v46  }
0xf4: {  	v49 =	vmul.f32 v16, v8;
	[tilespmem:s23+$0x2000] =	vst v3;
	v3 =	vmul.f32 v25, v6;
	v57 =	vsub.f32 v53, v2  }
0xf5: {  	v50 =	vadd.f32 v56, v52;
	[tilespmem:s23+$0x1400] =	vst v4;
	v2 =	vadd.f32 v2, v53;
	v8 =	vmul.f32 v7, v54  }
0xf6: {  	v52 =	vadd.f32 v52, v23;
	v61 =	vadd.f32 v55, v49;
	[tilespmem:s23+$0x1E00] =	vst v3;
	v60 =	vmul.f32 v7, v57  }
0xf7: {  	v10 =	vmul.f32 v7, v48;
	v2 =	vmul.f32 v7, v2;
	[tilespmem:s26+$0x1200] =	vst v8  }
0xf8: {  	v3 =	vmul.f32 v7, v52;
	v63 =	vmul.f32 v7, v61;
	[tilespmem:s26+$0x1000] =	vst v60  }
0xf9: {  	v58 =	vsub.f32 v49, v55;
	v12 =	vmul.f32 v7, v50;
	v10 =	vsub.f32 $1.000000000e+00, v10;
	[tilespmem:s26+$0x1600] =	vst v2  }
0xfa: {  	v59 =	vadd.f32 v13, v13;
	v3 =	vsub.f32 $1.000000000e+00, v3;
	[tilespmem:s26+$0x2000] =	vst v63  }
0xfb: {  	v62 =	vsub.f32 v47, v51;
	v56 =	vsub.f32 $1.000000000e+00, v12;
	[tilespmem:s26+$0x1800] =	vst v10  }
0xfc: {  	v6 =	vsub.f32 $1.000000000e+00, v59;
	[tilespmem:s26+$0x2200] =	vst v3;
	v3 =	vmul.f32 v7, v58  }
0xfd: {  	v2 =	vmul.f32 v7, v62;
	[tilespmem:s26+$0xE00] =	vst v56  }
0xfe: {  	s22 =	sadd.s32 $0x1, s22;
	[tilespmem:s26+$0x1A00] =	vst v3;
	v3 =	vmul.f32 $5.000000070e-02, v6  }
0xff: {  	p0 =	sne.s32 s22, s11;
	[tilespmem:s26+$0x1E00] =	vst v2  }
.Ltmp1:
0x100: {  	[tilespmem:s26+$0x1400] =	vst v3;
	(pc) =	sbr.rel @p0 .LBB2_1-.Ltmp1, $4  }
0x101: {  	[hbm4b:s10+s13] =	stream.strided.scatter [tilespmem:s21], [sflag:$0x2], $0x2000, s20, s13, $0x38;
	[tilespmem:$0x2E00] =	vst v63  }
0x102: {  	_ =	swait.ge [sflag:s12], $0x2000  }
0x103: {  	[sflag:s12] =	ssyncset.done $0x0  }
0x104: {  	[sflag:s12] =	ssyncadd.s32 $0xFFFFE000  }
0x105: {  	_ =	sfence.sel $0x180000  }
0x106: {  	[bflag:$0x0] =	sbarrier.arrive $0xFFFF  }
0x107: {  	p0 =	sne.s32 s4, $0x0;
	_ =	strace $0x90000047  }
0x108: {  	s0 =	sadd.s32 @!p0 $0x100000, s0;
	[bflag:$0x2] =	sbarrier.arrive $0xFFFF  }
0x109: {  	[sflag:s0] =	ssyncadd.tile.s32 @!p0 $0x1;
	_ =	shalt  }
.Lfunc_end2:
_tile_overlayer_lowered:
.L_overlay_start_2:
0x10a: {  	(tag) =	ssettag $0x2  }
0x10b: {  	s0 =	rddreg [dreg:$0x0];
	s2 =	stileid.u32  }
0x10c: {  	s1 =	rddreg [dreg:$0x1];
	p0 =	sne.s32 s2, $0x0  }
0x10d: {  	s3 =	rddreg [dreg:$0x2];
	[bflag:$0x3] =	sbarrier.arrive $0xFFFF;
	s2 =	simm.s32 @!p0 $0x1C02  }
0x10e: {  	[timem:s3], [sflag:s2] =	dma.local @!p0 [hbm:s0], s1  }
0x10f: {  	s0 =	simm.s32 @!p0 $0x2  }
0x110: {  	_ =	swait.ge @!p0 [sflag:s0], s1  }
0x111: {  	s1 =	ssub.s32 @!p0 $0x0, s1;
	[sflag:s0] =	ssyncset.done @!p0 $0x0  }
0x112: {  	[sflag:s0] =	ssyncadd.s32 @!p0 s1  }
0x113: {  	[bflag:$0x3] =	sbarrier.arrive $0xFFFF  }
0x114: {  	_ =	shalt  }

</sc_bundles>
